<compile_context>
chip_gen: v7x
topology: tpu7x:2x2x1
jax: 0.10.2.dev20260603
libtpu: 0.0.44.dev20260713+nightly
codegen_flags: <defaults>
</compile_context>

<pallas_src>
import functools

import jax
import jax.numpy as jnp
import numpy as np
from jax import lax
from jax.experimental import pallas as pl
from jax.experimental.pallas import tpu as pltpu
from jax.experimental.pallas import tpu_sc as plsc

_FIELD_DIMS = [38462] * 26
_NUM_FIELDS = 26
_VOCAB = sum(_FIELD_DIMS)
_EMBED_DIM = 16
_BATCH = 16384
_MLP_IN = _NUM_FIELDS * _EMBED_DIM
_OFFSETS = np.concatenate(([0], np.cumsum(_FIELD_DIMS)[:-1])).astype(np.int32)

_NW = 32
_N_FC = _BATCH * _NUM_FIELDS
_PW_F = _N_FC // _NW
_CH_F = 3328
_BS = 1024
_NBLK = _BATCH // _BS

_VB = 8192
_GVOC = 8 * 38462
_BSTART = [(j * _GVOC) // _VB for j in range(4)]
_BEND = [-(-min((j + 1) * _GVOC, _VOCAB) // _VB) for j in range(4)]
_NBJ = [_BEND[j] - _BSTART[j] for j in range(4)]
_NE_J = _BATCH * 8
_PW_E = _NE_J // _NW
_CH_E = 4096


def _fold_body(in_ref, out_ref, scr_ref):
    scr_ref[:, 0:16] = in_ref[...].T
    for s in range(8):
        out_ref[:, s * 16:(s + 1) * 16] = scr_ref[pl.Slice(s, _VB // 8, 8), 0:16]


def _fold_slab(embT, j):
    bs = _BSTART[j]
    return pl.pallas_call(
        _fold_body,
        grid=(_NBJ[j],),
        in_specs=[pl.BlockSpec((16, _VB), lambda i: (0, bs + i))],
        out_specs=pl.BlockSpec((_VB // 8, 128), lambda i: (i, 0)),
        out_shape=jax.ShapeDtypeStruct((_NBJ[j] * _VB // 8, 128), jnp.float32),
        scratch_shapes=[pltpu.VMEM((_VB, 128), jnp.float32)],
    )(embT)


_FCB = 65536
_NBF = (_VOCAB + _FCB - 1) // _FCB


def _fc_fold_body(in_ref, out_ref):
    out_ref[...] = in_ref[...].reshape(_FCB // 128, 128)


def _fc_fold(fcT):
    return pl.pallas_call(
        _fc_fold_body,
        grid=(_NBF,),
        in_specs=[pl.BlockSpec((1, _FCB), lambda i: (0, i))],
        out_specs=pl.BlockSpec((_FCB // 128, 128), lambda i: (i, 0)),
        out_shape=jax.ShapeDtypeStruct((_NBF * _FCB // 128, 128), jnp.float32),
    )(fcT)


def _sc_gather_slab(table, idxp_all, j, with_fc, fc1=None, idxf=None):
    mesh = plsc.VectorSubcoreMesh(core_axis_name="c", subcore_axis_name="s")
    out_type = [jax.ShapeDtypeStruct((_NE_J, _EMBED_DIM), jnp.float32)]
    scratch = [
        pltpu.VMEM((_CH_E,), jnp.int32),
        pltpu.VMEM((_CH_E, _EMBED_DIM), jnp.float32),
        pltpu.SemaphoreType.DMA,
    ]
    if with_fc:
        out_type.append(jax.ShapeDtypeStruct((_N_FC,), jnp.float32))
        scratch += [
            pltpu.VMEM((_CH_F,), jnp.int32),
            pltpu.VMEM((_CH_F,), jnp.float32),
            pltpu.SemaphoreType.DMA,
        ]

    @functools.partial(
        pl.kernel,
        out_type=tuple(out_type),
        name="sc_gather_fc" if with_fc else "sc_gather",
        mesh=mesh,
        scratch_types=scratch,
        compiler_params=pltpu.CompilerParams(use_tc_tiling_on_sc=False),
    )
    def k(*refs):
        if with_fc:
            (emb_hbm, fc_hbm, idxp_hbm, idxf_hbm, ex_hbm, fcg_hbm,
             idxe_v, rows_v, s1, idxf_v, fcr_v, s2) = refs
        else:
            emb_hbm, idxp_hbm, ex_hbm, idxe_v, rows_v, s1 = refs
        wid = lax.axis_index("s") * 2 + lax.axis_index("c")
        st = j * _NE_J + wid * _PW_E
        pltpu.sync_copy(idxp_hbm.at[pl.ds(st, _CH_E)], idxe_v)
        pltpu.async_copy(emb_hbm.at[idxe_v], rows_v, s1).wait()
        pltpu.sync_copy(rows_v, ex_hbm.at[pl.ds(wid * _PW_E, _CH_E)])
        if with_fc:
            def body_f(t, carry):
                stf = wid * _PW_F + t * _CH_F
                pltpu.sync_copy(idxf_hbm.at[pl.ds(stf, _CH_F)], idxf_v)
                pltpu.async_copy(fc_hbm.at[idxf_v], fcr_v, s2).wait()
                pltpu.sync_copy(fcr_v, fcg_hbm.at[pl.ds(stf, _CH_F)])
                return carry
            lax.fori_loop(0, _PW_F // _CH_F, body_f, 0)

    if with_fc:
        return k(table, fc1, idxp_all, idxf)
    return k(table, idxp_all)[0]


def _tc_body(e0_ref, e1_ref, e2_ref, e3_ref, fcg_ref, sp_ref, w1_ref, b1_ref,
             w2_ref, b2_ref, w3_ref, cb_ref, out_ref):
    exs = [e0_ref[...], e1_ref[...], e2_ref[...], e3_ref[...]]
    rowsum = jnp.zeros((_BS, _EMBED_DIM), jnp.float32)
    y = jnp.zeros((_BS, 128), jnp.float32)
    ssq = jnp.zeros((_BS,), jnp.float32)
    for j in range(4):
        exj = exs[j]
        y = y + jnp.dot(exj, w1_ref[j * 128:(j + 1) * 128, :],
                        preferred_element_type=jnp.float32)
        rowsum = rowsum + jnp.dot(exj, sp_ref[j * 128:(j + 1) * 128, :],
                                  preferred_element_type=jnp.float32)
        if j < 3:
            ssq = ssq + jnp.sum(exj * exj, axis=1)
        else:
            ex3 = exj[:, :32]
            ssq = ssq + jnp.sum(ex3 * ex3, axis=1)
    fm = 0.5 * (jnp.sum(rowsum * rowsum, axis=1) - ssq)
    lin = jnp.sum(fcg_ref[...], axis=1)
    h1 = jnp.maximum(y + b1_ref[...], 0.0)
    h2 = jnp.maximum(
        jnp.dot(h1, w2_ref[...], preferred_element_type=jnp.float32)
        + b2_ref[...], 0.0)
    mlp = jnp.sum(h2 * w3_ref[...], axis=1)
    out_ref[...] = lin + fm + mlp + cb_ref[0, 0]


_SEL = np.zeros((512, _EMBED_DIM), np.float32)
for _f in range(_NUM_FIELDS):
    for _d in range(_EMBED_DIM):
        _SEL[(_f // 8) * 128 + (_f % 8) * 16 + _d, _d] = 1.0


def _tc_compute(exs, fcg, W1p, b1, W2, b2, w3, cb):
    return pl.pallas_call(
        _tc_body,
        grid=(_NBLK,),
        in_specs=[
            pl.BlockSpec((_BS, 128), lambda i: (i, 0)),
            pl.BlockSpec((_BS, 128), lambda i: (i, 0)),
            pl.BlockSpec((_BS, 128), lambda i: (i, 0)),
            pl.BlockSpec((_BS, 128), lambda i: (i, 0)),
            pl.BlockSpec((_BS, _NUM_FIELDS), lambda i: (i, 0)),
            pl.BlockSpec((512, _EMBED_DIM), lambda i: (0, 0)),
            pl.BlockSpec((512, 128), lambda i: (0, 0)),
            pl.BlockSpec((1, 128), lambda i: (0, 0)),
            pl.BlockSpec((128, 64), lambda i: (0, 0)),
            pl.BlockSpec((1, 64), lambda i: (0, 0)),
            pl.BlockSpec((1, 64), lambda i: (0, 0)),
            pl.BlockSpec((1, 1), lambda i: (0, 0)),
        ],
        out_specs=pl.BlockSpec((_BS,), lambda i: (i,)),
        out_shape=jax.ShapeDtypeStruct((_BATCH,), jnp.float32),
    )(*exs, fcg, jnp.asarray(_SEL), W1p, b1, W2, b2, w3, cb)


def kernel(x, emb, fc, bias, W1, b1, W2, b2, W3, b3):
    idx = x.astype(jnp.int32) + jnp.asarray(_OFFSETS, jnp.int32)[None, :]
    idxf = idx.reshape(-1)
    embT = emb.T
    fc1 = _fc_fold(fc.T).reshape(-1)
    padded = jnp.concatenate(
        [idx, idx[:, 24:26], idx[:, 24:26], idx[:, 24:26]], axis=1)
    slot_off = np.zeros((32,), np.int32)
    for c in range(32):
        slot_off[c] = _BSTART[min(c, 31) // 8 if c < 26 else 3] * _VB
    padded = padded - jnp.asarray(slot_off)[None, :]
    idxp_all = padded.reshape(_BATCH, 4, 8).transpose(1, 0, 2).reshape(-1)
    exs = []
    fcg_flat = None
    for j in range(4):
        table_j = _fold_slab(embT, j).reshape(_NBJ[j] * _VB, _EMBED_DIM)
        if j == 0:
            ex_j, fcg_flat = _sc_gather_slab(table_j, idxp_all, j, True,
                                             fc1, idxf)
        else:
            ex_j = _sc_gather_slab(table_j, idxp_all, j, False)
        exs.append(ex_j.reshape(_NE_J // 8, 128))
    fcg = fcg_flat.reshape(_BATCH, _NUM_FIELDS)
    W1p = jnp.concatenate(
        [W1.reshape(_NUM_FIELDS, _EMBED_DIM, 128),
         jnp.zeros((32 - _NUM_FIELDS, _EMBED_DIM, 128), jnp.float32)],
        axis=0).reshape(512, 128)
    cb = (bias + b3).reshape(1, 1)
    return _tc_compute(exs, fcg, W1p, b1.reshape(1, 128), W2,
                       b2.reshape(1, 64), W3.reshape(1, 64), cb)

# --- scband reference (transcript-rebuilt; emitter-appended) ---
"""Pipeline reference for scband-deep-factorization-machine-model-74826920231319 (READ-ONLY COPY).

The authoritative reference and input builder live on the scoring server;
editing this copy changes nothing except your own understanding.
"""

import jax, jax.numpy as jnp
import numpy as np

FIELD_DIMS = [38462] * 26
NUM_FIELDS = 26
VOCAB = sum(FIELD_DIMS)
EMBED_DIM = 16
BATCH = 16384
MLP_IN = NUM_FIELDS * EMBED_DIM  # 416
OFFSETS = np.concatenate(([0], np.cumsum(FIELD_DIMS)[:-1])).astype(np.int64)


def setup_inputs(seed: int = 0) -> dict:
    key = jax.random.key(seed)
    ks = jax.random.split(key, 12)
    x = jax.random.randint(ks[0], (BATCH, NUM_FIELDS), 0, 38462)
    emb = jax.random.normal(ks[1], (VOCAB, EMBED_DIM), dtype=jnp.float32) * 0.01
    fc = jax.random.normal(ks[2], (VOCAB, 1), dtype=jnp.float32) * 0.01
    bias = jnp.zeros((1,), dtype=jnp.float32)
    W1 = jax.random.normal(ks[3], (MLP_IN, 128), dtype=jnp.float32) * (1.0 / np.sqrt(MLP_IN))
    b1 = jnp.zeros((128,), dtype=jnp.float32)
    W2 = jax.random.normal(ks[4], (128, 64), dtype=jnp.float32) * (1.0 / np.sqrt(128))
    b2 = jnp.zeros((64,), dtype=jnp.float32)
    W3 = jax.random.normal(ks[5], (64, 1), dtype=jnp.float32) * (1.0 / np.sqrt(64))
    b3 = jnp.zeros((1,), dtype=jnp.float32)
    return {"x": x, "emb": emb, "fc": fc, "bias": bias,
            "W1": W1, "b1": b1, "W2": W2, "b2": b2, "W3": W3, "b3": b3}


def reference(x, emb, fc, bias, W1, b1, W2, b2, W3, b3):
    offsets = jnp.asarray(OFFSETS, dtype=x.dtype)
    idx = x + offsets[None, :]  # (B, F)
    # FeaturesEmbedding: gather
    embed_x = jnp.take(emb, idx, axis=0)  # (B, F, D)
    # FeaturesLinear
    lin = jnp.sum(jnp.take(fc, idx, axis=0), axis=1) + bias  # (B, 1)
    # FactorizationMachine (reduce_sum=True)
    square_of_sum = jnp.sum(embed_x, axis=1) ** 2  # (B, D)
    sum_of_square = jnp.sum(embed_x ** 2, axis=1)  # (B, D)
    fm = 0.5 * jnp.sum(square_of_sum - sum_of_square, axis=1, keepdims=True)  # (B, 1)
    # MLP (dropout = identity at inference)
    h = embed_x.reshape(-1, MLP_IN)
    h = jax.nn.relu(h @ W1 + b1)
    h = jax.nn.relu(h @ W2 + b2)
    mlp_out = h @ W3 + b3  # (B, 1)
    out = (lin + fm + mlp_out).squeeze(1)  # (B,)
    return out

if __name__ == "__main__":
    import jax
    _d = setup_inputs()
    print(jax.jit(kernel)(*tuple(_d.values())))

</pallas_src>

<mosaic_0001>
#map = affine_map<(d0, d1) -> (0, 0)>
#map1 = affine_map<(d0, d1) -> (0)>
module attributes {stable_mosaic.version = 14 : i64} {
  func.func @sc_gather(%arg0: i32, %arg1: i32, %arg2: memref<319488x16xf32, #tpu.memory_space<hbm>>, %arg3: memref<524288xi32, #tpu.memory_space<hbm>>, %arg4: memref<131072x16xf32, #tpu.memory_space<hbm>>, %arg5: memref<4096xi32, #tpu.memory_space<vmem>>, %arg6: memref<4096x16xf32, #tpu.memory_space<vmem>>, %arg7: memref<!tpu.dma_semaphore, #tpu.memory_space<semaphore_mem>>) attributes {dimension_semantics = [#tpu.dimension_semantics<core_parallel>, #tpu.dimension_semantics<subcore_parallel>], iteration_bounds = array<i64: 2, 16>, scalar_prefetch = 0 : i64, scratch_operands = 3 : i64, tpu.core_type = #tpu.core_type<sc_vector_subcore>, window_params = [{transform_indices = #map}, {transform_indices = #map1}, {transform_indices = #map}]} {
    %mul3A = arith.constant 2 : i32
    %mul3A_0 = arith.muli %arg1, %mul3A : i32
    %add3A = arith.addi %mul3A_0, %arg0 : i32
    %mul3A_1 = arith.constant 4096 : i32
    %mul3A_2 = arith.muli %add3A, %mul3A_1 : i32
    %add3A_3 = arith.constant 131072 : i32
    %add3A_4 = arith.addi %add3A_3, %mul3A_2 : i32
    "tpu.region"() ({
      %run_scoped3A = tpu.sem_alloc : memref<!tpu.dma_semaphore, #tpu.memory_space<semaphore_mem>>
      %dma_start3A_11 = tpu.memref_slice %arg3[%add3A_4] : memref<524288xi32, #tpu.memory_space<hbm>> -> memref<4096xi32, #tpu.memory_space<hbm>>
      %dma_start3A_12 = tpu.memref_slice %arg3[%add3A_4] : memref<524288xi32, #tpu.memory_space<hbm>> -> memref<4096xi32, #tpu.memory_space<hbm>>
      tpu.enqueue_dma source(%dma_start3A_12 : memref<4096xi32, #tpu.memory_space<hbm>>) target(%arg5 : memref<4096xi32, #tpu.memory_space<vmem>>) target_semaphore(%run_scoped3A : memref<!tpu.dma_semaphore, #tpu.memory_space<semaphore_mem>>)
      %dma_wait3A_13 = tpu.memref_slice %arg3[%add3A_4] : memref<524288xi32, #tpu.memory_space<hbm>> -> memref<4096xi32, #tpu.memory_space<hbm>>
      %dma_wait3A_14 = tpu.memref_slice %arg3[%add3A_4] : memref<524288xi32, #tpu.memory_space<hbm>> -> memref<4096xi32, #tpu.memory_space<hbm>>
      tpu.wait_dma2 semaphore(%run_scoped3A : memref<!tpu.dma_semaphore, #tpu.memory_space<semaphore_mem>>) src(%dma_wait3A_14 : memref<4096xi32, #tpu.memory_space<hbm>>) dst(%arg5 : memref<4096xi32, #tpu.memory_space<vmem>>)
      tpu.yield
    }) : () -> ()
    %dma_start3A = arith.constant 0 : i32
    %dma_start3A_5 = arith.constant 0 : i32
    %dma_start3A_6 = tpu.memref_slice %arg2[%dma_start3A, %dma_start3A_5] : memref<319488x16xf32, #tpu.memory_space<hbm>> -> memref<319488x16xf32, #tpu.memory_space<hbm>>
    tpu.enqueue_indirect_dma source(%dma_start3A_6 : memref<319488x16xf32, #tpu.memory_space<hbm>>) target(%arg6 : memref<4096x16xf32, #tpu.memory_space<vmem>>) offsets(%arg5 : memref<4096xi32, #tpu.memory_space<vmem>>) semaphore(%arg7 : memref<!tpu.dma_semaphore, #tpu.memory_space<semaphore_mem>>)
    %dma_wait3A = arith.constant 0 : i32
    %dma_wait3A_7 = arith.constant 0 : i32
    %dma_wait3A_8 = tpu.memref_slice %arg2[%dma_wait3A, %dma_wait3A_7] : memref<319488x16xf32, #tpu.memory_space<hbm>> -> memref<319488x16xf32, #tpu.memory_space<hbm>>
    tpu.wait_indirect_dma semaphore(%arg7 : memref<!tpu.dma_semaphore, #tpu.memory_space<semaphore_mem>>) src(%dma_wait3A_8 : memref<319488x16xf32, #tpu.memory_space<hbm>>) dst(%arg6 : memref<4096x16xf32, #tpu.memory_space<vmem>>)
    %mul3A_9 = arith.constant 4096 : i32
    %mul3A_10 = arith.muli %add3A, %mul3A_9 : i32
    "tpu.region"() ({
      %run_scoped3A = tpu.sem_alloc : memref<!tpu.dma_semaphore, #tpu.memory_space<semaphore_mem>>
      %dma_start3A_11 = arith.constant 0 : i32
      %dma_start3A_12 = tpu.memref_slice %arg4[%mul3A_10, %dma_start3A_11] : memref<131072x16xf32, #tpu.memory_space<hbm>> -> memref<4096x16xf32, #tpu.memory_space<hbm>>
      %dma_start3A_13 = arith.constant 0 : i32
      %dma_start3A_14 = tpu.memref_slice %arg4[%mul3A_10, %dma_start3A_13] : memref<131072x16xf32, #tpu.memory_space<hbm>> -> memref<4096x16xf32, #tpu.memory_space<hbm>>
      tpu.enqueue_dma source(%arg6 : memref<4096x16xf32, #tpu.memory_space<vmem>>) target(%dma_start3A_14 : memref<4096x16xf32, #tpu.memory_space<hbm>>) target_semaphore(%run_scoped3A : memref<!tpu.dma_semaphore, #tpu.memory_space<semaphore_mem>>)
      %dma_wait3A_15 = arith.constant 0 : i32
      %dma_wait3A_16 = tpu.memref_slice %arg4[%mul3A_10, %dma_wait3A_15] : memref<131072x16xf32, #tpu.memory_space<hbm>> -> memref<4096x16xf32, #tpu.memory_space<hbm>>
      %dma_wait3A_17 = arith.constant 0 : i32
      %dma_wait3A_18 = tpu.memref_slice %arg4[%mul3A_10, %dma_wait3A_17] : memref<131072x16xf32, #tpu.memory_space<hbm>> -> memref<4096x16xf32, #tpu.memory_space<hbm>>
      tpu.wait_dma2 semaphore(%run_scoped3A : memref<!tpu.dma_semaphore, #tpu.memory_space<semaphore_mem>>) src(%arg6 : memref<4096x16xf32, #tpu.memory_space<vmem>>) dst(%dma_wait3A_18 : memref<4096x16xf32, #tpu.memory_space<hbm>>)
      tpu.yield
    }) : () -> ()
    return
  }
}

#map = affine_map<(d0, d1) -> (0, 0)>
#map1 = affine_map<(d0, d1) -> (0)>
module attributes {stable_mosaic.version = 14 : i64} {
  func.func @sc_gather_fc(%arg0: i32, %arg1: i32, %arg2: memref<311296x16xf32, #tpu.memory_space<hbm>>, %arg3: memref<1048576xf32, #tpu.memory_space<hbm>>, %arg4: memref<524288xi32, #tpu.memory_space<hbm>>, %arg5: memref<425984xi32, #tpu.memory_space<hbm>>, %arg6: memref<131072x16xf32, #tpu.memory_space<hbm>>, %arg7: memref<425984xf32, #tpu.memory_space<hbm>>, %arg8: memref<4096xi32, #tpu.memory_space<vmem>>, %arg9: memref<4096x16xf32, #tpu.memory_space<vmem>>, %arg10: memref<!tpu.dma_semaphore, #tpu.memory_space<semaphore_mem>>, %arg11: memref<3328xi32, #tpu.memory_space<vmem>>, %arg12: memref<3328xf32, #tpu.memory_space<vmem>>, %arg13: memref<!tpu.dma_semaphore, #tpu.memory_space<semaphore_mem>>) attributes {dimension_semantics = [#tpu.dimension_semantics<core_parallel>, #tpu.dimension_semantics<subcore_parallel>], iteration_bounds = array<i64: 2, 16>, scalar_prefetch = 0 : i64, scratch_operands = 6 : i64, tpu.core_type = #tpu.core_type<sc_vector_subcore>, window_params = [{transform_indices = #map}, {transform_indices = #map1}, {transform_indices = #map1}, {transform_indices = #map1}, {transform_indices = #map}, {transform_indices = #map1}]} {
    %mul3A = arith.constant 2 : i32
    %mul3A_0 = arith.muli %arg1, %mul3A : i32
    %add3A = arith.addi %mul3A_0, %arg0 : i32
    %mul3A_1 = arith.constant 4096 : i32
    %mul3A_2 = arith.muli %add3A, %mul3A_1 : i32
    %add3A_3 = arith.constant 0 : i32
    %add3A_4 = arith.addi %add3A_3, %mul3A_2 : i32
    "tpu.region"() ({
      %run_scoped3A = tpu.sem_alloc : memref<!tpu.dma_semaphore, #tpu.memory_space<semaphore_mem>>
      %dma_start3A_16 = tpu.memref_slice %arg4[%add3A_4] : memref<524288xi32, #tpu.memory_space<hbm>> -> memref<4096xi32, #tpu.memory_space<hbm>>
      %dma_start3A_17 = tpu.memref_slice %arg4[%add3A_4] : memref<524288xi32, #tpu.memory_space<hbm>> -> memref<4096xi32, #tpu.memory_space<hbm>>
      tpu.enqueue_dma source(%dma_start3A_17 : memref<4096xi32, #tpu.memory_space<hbm>>) target(%arg8 : memref<4096xi32, #tpu.memory_space<vmem>>) target_semaphore(%run_scoped3A : memref<!tpu.dma_semaphore, #tpu.memory_space<semaphore_mem>>)
      %dma_wait3A_18 = tpu.memref_slice %arg4[%add3A_4] : memref<524288xi32, #tpu.memory_space<hbm>> -> memref<4096xi32, #tpu.memory_space<hbm>>
      %dma_wait3A_19 = tpu.memref_slice %arg4[%add3A_4] : memref<524288xi32, #tpu.memory_space<hbm>> -> memref<4096xi32, #tpu.memory_space<hbm>>
      tpu.wait_dma2 semaphore(%run_scoped3A : memref<!tpu.dma_semaphore, #tpu.memory_space<semaphore_mem>>) src(%dma_wait3A_19 : memref<4096xi32, #tpu.memory_space<hbm>>) dst(%arg8 : memref<4096xi32, #tpu.memory_space<vmem>>)
      tpu.yield
    }) : () -> ()
    %dma_start3A = arith.constant 0 : i32
    %dma_start3A_5 = arith.constant 0 : i32
    %dma_start3A_6 = tpu.memref_slice %arg2[%dma_start3A, %dma_start3A_5] : memref<311296x16xf32, #tpu.memory_space<hbm>> -> memref<311296x16xf32, #tpu.memory_space<hbm>>
    tpu.enqueue_indirect_dma source(%dma_start3A_6 : memref<311296x16xf32, #tpu.memory_space<hbm>>) target(%arg9 : memref<4096x16xf32, #tpu.memory_space<vmem>>) offsets(%arg8 : memref<4096xi32, #tpu.memory_space<vmem>>) semaphore(%arg10 : memref<!tpu.dma_semaphore, #tpu.memory_space<semaphore_mem>>)
    %dma_wait3A = arith.constant 0 : i32
    %dma_wait3A_7 = arith.constant 0 : i32
    %dma_wait3A_8 = tpu.memref_slice %arg2[%dma_wait3A, %dma_wait3A_7] : memref<311296x16xf32, #tpu.memory_space<hbm>> -> memref<311296x16xf32, #tpu.memory_space<hbm>>
    tpu.wait_indirect_dma semaphore(%arg10 : memref<!tpu.dma_semaphore, #tpu.memory_space<semaphore_mem>>) src(%dma_wait3A_8 : memref<311296x16xf32, #tpu.memory_space<hbm>>) dst(%arg9 : memref<4096x16xf32, #tpu.memory_space<vmem>>)
    %mul3A_9 = arith.constant 4096 : i32
    %mul3A_10 = arith.muli %add3A, %mul3A_9 : i32
    "tpu.region"() ({
      %run_scoped3A = tpu.sem_alloc : memref<!tpu.dma_semaphore, #tpu.memory_space<semaphore_mem>>
      %dma_start3A_16 = arith.constant 0 : i32
      %dma_start3A_17 = tpu.memref_slice %arg6[%mul3A_10, %dma_start3A_16] : memref<131072x16xf32, #tpu.memory_space<hbm>> -> memref<4096x16xf32, #tpu.memory_space<hbm>>
      %dma_start3A_18 = arith.constant 0 : i32
      %dma_start3A_19 = tpu.memref_slice %arg6[%mul3A_10, %dma_start3A_18] : memref<131072x16xf32, #tpu.memory_space<hbm>> -> memref<4096x16xf32, #tpu.memory_space<hbm>>
      tpu.enqueue_dma source(%arg9 : memref<4096x16xf32, #tpu.memory_space<vmem>>) target(%dma_start3A_19 : memref<4096x16xf32, #tpu.memory_space<hbm>>) target_semaphore(%run_scoped3A : memref<!tpu.dma_semaphore, #tpu.memory_space<semaphore_mem>>)
      %dma_wait3A_20 = arith.constant 0 : i32
      %dma_wait3A_21 = tpu.memref_slice %arg6[%mul3A_10, %dma_wait3A_20] : memref<131072x16xf32, #tpu.memory_space<hbm>> -> memref<4096x16xf32, #tpu.memory_space<hbm>>
      %dma_wait3A_22 = arith.constant 0 : i32
      %dma_wait3A_23 = tpu.memref_slice %arg6[%mul3A_10, %dma_wait3A_22] : memref<131072x16xf32, #tpu.memory_space<hbm>> -> memref<4096x16xf32, #tpu.memory_space<hbm>>
      tpu.wait_dma2 semaphore(%run_scoped3A : memref<!tpu.dma_semaphore, #tpu.memory_space<semaphore_mem>>) src(%arg9 : memref<4096x16xf32, #tpu.memory_space<vmem>>) dst(%dma_wait3A_23 : memref<4096x16xf32, #tpu.memory_space<hbm>>)
      tpu.yield
    }) : () -> ()
    %scan3A = arith.constant 0 : i32
    %scan3A_11 = arith.constant 0 : i32
    %scan3A_12 = arith.constant 4 : i32
    %scan3A_13 = arith.addi %scan3A_11, %scan3A_12 : i32
    %scan3A_14 = arith.constant 1 : i32
    scf.for %scan3A_16 = %scan3A_11 to %scan3A_13 step %scan3A_14  : i32 {
      %mul3A_17 = arith.constant 13312 : i32
      %mul3A_18 = arith.muli %add3A, %mul3A_17 : i32
      %mul3A_19 = arith.constant 3328 : i32
      %mul3A_20 = arith.muli %scan3A_16, %mul3A_19 : i32
      %add3A_21 = arith.addi %mul3A_18, %mul3A_20 : i32
      "tpu.region"() ({
        %run_scoped3A = tpu.sem_alloc : memref<!tpu.dma_semaphore, #tpu.memory_space<semaphore_mem>>
        %dma_start3A_26 = tpu.memref_slice %arg5[%add3A_21] : memref<425984xi32, #tpu.memory_space<hbm>> -> memref<3328xi32, #tpu.memory_space<hbm>>
        %dma_start3A_27 = tpu.memref_slice %arg5[%add3A_21] : memref<425984xi32, #tpu.memory_space<hbm>> -> memref<3328xi32, #tpu.memory_space<hbm>>
        tpu.enqueue_dma source(%dma_start3A_27 : memref<3328xi32, #tpu.memory_space<hbm>>) target(%arg11 : memref<3328xi32, #tpu.memory_space<vmem>>) target_semaphore(%run_scoped3A : memref<!tpu.dma_semaphore, #tpu.memory_space<semaphore_mem>>)
        %dma_wait3A_28 = tpu.memref_slice %arg5[%add3A_21] : memref<425984xi32, #tpu.memory_space<hbm>> -> memref<3328xi32, #tpu.memory_space<hbm>>
        %dma_wait3A_29 = tpu.memref_slice %arg5[%add3A_21] : memref<425984xi32, #tpu.memory_space<hbm>> -> memref<3328xi32, #tpu.memory_space<hbm>>
        tpu.wait_dma2 semaphore(%run_scoped3A : memref<!tpu.dma_semaphore, #tpu.memory_space<semaphore_mem>>) src(%dma_wait3A_29 : memref<3328xi32, #tpu.memory_space<hbm>>) dst(%arg11 : memref<3328xi32, #tpu.memory_space<vmem>>)
        tpu.yield
      }) : () -> ()
      %dma_start3A_22 = arith.constant 0 : i32
      %dma_start3A_23 = tpu.memref_slice %arg3[%dma_start3A_22] : memref<1048576xf32, #tpu.memory_space<hbm>> -> memref<1048576xf32, #tpu.memory_space<hbm>>
      tpu.enqueue_indirect_dma source(%dma_start3A_23 : memref<1048576xf32, #tpu.memory_space<hbm>>) target(%arg12 : memref<3328xf32, #tpu.memory_space<vmem>>) offsets(%arg11 : memref<3328xi32, #tpu.memory_space<vmem>>) semaphore(%arg13 : memref<!tpu.dma_semaphore, #tpu.memory_space<semaphore_mem>>)
      %dma_wait3A_24 = arith.constant 0 : i32
      %dma_wait3A_25 = tpu.memref_slice %arg3[%dma_wait3A_24] : memref<1048576xf32, #tpu.memory_space<hbm>> -> memref<1048576xf32, #tpu.memory_space<hbm>>
      tpu.wait_indirect_dma semaphore(%arg13 : memref<!tpu.dma_semaphore, #tpu.memory_space<semaphore_mem>>) src(%dma_wait3A_25 : memref<1048576xf32, #tpu.memory_space<hbm>>) dst(%arg12 : memref<3328xf32, #tpu.memory_space<vmem>>)
      "tpu.region"() ({
        %run_scoped3A = tpu.sem_alloc : memref<!tpu.dma_semaphore, #tpu.memory_space<semaphore_mem>>
        %dma_start3A_26 = tpu.memref_slice %arg7[%add3A_21] : memref<425984xf32, #tpu.memory_space<hbm>> -> memref<3328xf32, #tpu.memory_space<hbm>>
        %dma_start3A_27 = tpu.memref_slice %arg7[%add3A_21] : memref<425984xf32, #tpu.memory_space<hbm>> -> memref<3328xf32, #tpu.memory_space<hbm>>
        tpu.enqueue_dma source(%arg12 : memref<3328xf32, #tpu.memory_space<vmem>>) target(%dma_start3A_27 : memref<3328xf32, #tpu.memory_space<hbm>>) target_semaphore(%run_scoped3A : memref<!tpu.dma_semaphore, #tpu.memory_space<semaphore_mem>>)
        %dma_wait3A_28 = tpu.memref_slice %arg7[%add3A_21] : memref<425984xf32, #tpu.memory_space<hbm>> -> memref<3328xf32, #tpu.memory_space<hbm>>
        %dma_wait3A_29 = tpu.memref_slice %arg7[%add3A_21] : memref<425984xf32, #tpu.memory_space<hbm>> -> memref<3328xf32, #tpu.memory_space<hbm>>
        tpu.wait_dma2 semaphore(%run_scoped3A : memref<!tpu.dma_semaphore, #tpu.memory_space<semaphore_mem>>) src(%arg12 : memref<3328xf32, #tpu.memory_space<vmem>>) dst(%dma_wait3A_29 : memref<3328xf32, #tpu.memory_space<hbm>>)
        tpu.yield
      }) : () -> ()
    }
    %scan3A_15 = arith.constant 4 : i32
    return
  }
}

#map = affine_map<(d0, d1) -> (0, 0)>
#map1 = affine_map<(d0, d1) -> (0)>
module attributes {stable_mosaic.version = 14 : i64} {
  func.func @sc_gather(%arg0: i32, %arg1: i32, %arg2: memref<90112x16xf32, #tpu.memory_space<hbm>>, %arg3: memref<524288xi32, #tpu.memory_space<hbm>>, %arg4: memref<131072x16xf32, #tpu.memory_space<hbm>>, %arg5: memref<4096xi32, #tpu.memory_space<vmem>>, %arg6: memref<4096x16xf32, #tpu.memory_space<vmem>>, %arg7: memref<!tpu.dma_semaphore, #tpu.memory_space<semaphore_mem>>) attributes {dimension_semantics = [#tpu.dimension_semantics<core_parallel>, #tpu.dimension_semantics<subcore_parallel>], iteration_bounds = array<i64: 2, 16>, scalar_prefetch = 0 : i64, scratch_operands = 3 : i64, tpu.core_type = #tpu.core_type<sc_vector_subcore>, window_params = [{transform_indices = #map}, {transform_indices = #map1}, {transform_indices = #map}]} {
    %mul3A = arith.constant 2 : i32
    %mul3A_0 = arith.muli %arg1, %mul3A : i32
    %add3A = arith.addi %mul3A_0, %arg0 : i32
    %mul3A_1 = arith.constant 4096 : i32
    %mul3A_2 = arith.muli %add3A, %mul3A_1 : i32
    %add3A_3 = arith.constant 393216 : i32
    %add3A_4 = arith.addi %add3A_3, %mul3A_2 : i32
    "tpu.region"() ({
      %run_scoped3A = tpu.sem_alloc : memref<!tpu.dma_semaphore, #tpu.memory_space<semaphore_mem>>
      %dma_start3A_11 = tpu.memref_slice %arg3[%add3A_4] : memref<524288xi32, #tpu.memory_space<hbm>> -> memref<4096xi32, #tpu.memory_space<hbm>>
      %dma_start3A_12 = tpu.memref_slice %arg3[%add3A_4] : memref<524288xi32, #tpu.memory_space<hbm>> -> memref<4096xi32, #tpu.memory_space<hbm>>
      tpu.enqueue_dma source(%dma_start3A_12 : memref<4096xi32, #tpu.memory_space<hbm>>) target(%arg5 : memref<4096xi32, #tpu.memory_space<vmem>>) target_semaphore(%run_scoped3A : memref<!tpu.dma_semaphore, #tpu.memory_space<semaphore_mem>>)
      %dma_wait3A_13 = tpu.memref_slice %arg3[%add3A_4] : memref<524288xi32, #tpu.memory_space<hbm>> -> memref<4096xi32, #tpu.memory_space<hbm>>
      %dma_wait3A_14 = tpu.memref_slice %arg3[%add3A_4] : memref<524288xi32, #tpu.memory_space<hbm>> -> memref<4096xi32, #tpu.memory_space<hbm>>
      tpu.wait_dma2 semaphore(%run_scoped3A : memref<!tpu.dma_semaphore, #tpu.memory_space<semaphore_mem>>) src(%dma_wait3A_14 : memref<4096xi32, #tpu.memory_space<hbm>>) dst(%arg5 : memref<4096xi32, #tpu.memory_space<vmem>>)
      tpu.yield
    }) : () -> ()
    %dma_start3A = arith.constant 0 : i32
    %dma_start3A_5 = arith.constant 0 : i32
    %dma_start3A_6 = tpu.memref_slice %arg2[%dma_start3A, %dma_start3A_5] : memref<90112x16xf32, #tpu.memory_space<hbm>> -> memref<90112x16xf32, #tpu.memory_space<hbm>>
    tpu.enqueue_indirect_dma source(%dma_start3A_6 : memref<90112x16xf32, #tpu.memory_space<hbm>>) target(%arg6 : memref<4096x16xf32, #tpu.memory_space<vmem>>) offsets(%arg5 : memref<4096xi32, #tpu.memory_space<vmem>>) semaphore(%arg7 : memref<!tpu.dma_semaphore, #tpu.memory_space<semaphore_mem>>)
    %dma_wait3A = arith.constant 0 : i32
    %dma_wait3A_7 = arith.constant 0 : i32
    %dma_wait3A_8 = tpu.memref_slice %arg2[%dma_wait3A, %dma_wait3A_7] : memref<90112x16xf32, #tpu.memory_space<hbm>> -> memref<90112x16xf32, #tpu.memory_space<hbm>>
    tpu.wait_indirect_dma semaphore(%arg7 : memref<!tpu.dma_semaphore, #tpu.memory_space<semaphore_mem>>) src(%dma_wait3A_8 : memref<90112x16xf32, #tpu.memory_space<hbm>>) dst(%arg6 : memref<4096x16xf32, #tpu.memory_space<vmem>>)
    %mul3A_9 = arith.constant 4096 : i32
    %mul3A_10 = arith.muli %add3A, %mul3A_9 : i32
    "tpu.region"() ({
      %run_scoped3A = tpu.sem_alloc : memref<!tpu.dma_semaphore, #tpu.memory_space<semaphore_mem>>
      %dma_start3A_11 = arith.constant 0 : i32
      %dma_start3A_12 = tpu.memref_slice %arg4[%mul3A_10, %dma_start3A_11] : memref<131072x16xf32, #tpu.memory_space<hbm>> -> memref<4096x16xf32, #tpu.memory_space<hbm>>
      %dma_start3A_13 = arith.constant 0 : i32
      %dma_start3A_14 = tpu.memref_slice %arg4[%mul3A_10, %dma_start3A_13] : memref<131072x16xf32, #tpu.memory_space<hbm>> -> memref<4096x16xf32, #tpu.memory_space<hbm>>
      tpu.enqueue_dma source(%arg6 : memref<4096x16xf32, #tpu.memory_space<vmem>>) target(%dma_start3A_14 : memref<4096x16xf32, #tpu.memory_space<hbm>>) target_semaphore(%run_scoped3A : memref<!tpu.dma_semaphore, #tpu.memory_space<semaphore_mem>>)
      %dma_wait3A_15 = arith.constant 0 : i32
      %dma_wait3A_16 = tpu.memref_slice %arg4[%mul3A_10, %dma_wait3A_15] : memref<131072x16xf32, #tpu.memory_space<hbm>> -> memref<4096x16xf32, #tpu.memory_space<hbm>>
      %dma_wait3A_17 = arith.constant 0 : i32
      %dma_wait3A_18 = tpu.memref_slice %arg4[%mul3A_10, %dma_wait3A_17] : memref<131072x16xf32, #tpu.memory_space<hbm>> -> memref<4096x16xf32, #tpu.memory_space<hbm>>
      tpu.wait_dma2 semaphore(%run_scoped3A : memref<!tpu.dma_semaphore, #tpu.memory_space<semaphore_mem>>) src(%arg6 : memref<4096x16xf32, #tpu.memory_space<vmem>>) dst(%dma_wait3A_18 : memref<4096x16xf32, #tpu.memory_space<hbm>>)
      tpu.yield
    }) : () -> ()
    return
  }
}

#map = affine_map<(d0, d1) -> (0, 0)>
#map1 = affine_map<(d0, d1) -> (0)>
module attributes {stable_mosaic.version = 14 : i64} {
  func.func @sc_gather(%arg0: i32, %arg1: i32, %arg2: memref<311296x16xf32, #tpu.memory_space<hbm>>, %arg3: memref<524288xi32, #tpu.memory_space<hbm>>, %arg4: memref<131072x16xf32, #tpu.memory_space<hbm>>, %arg5: memref<4096xi32, #tpu.memory_space<vmem>>, %arg6: memref<4096x16xf32, #tpu.memory_space<vmem>>, %arg7: memref<!tpu.dma_semaphore, #tpu.memory_space<semaphore_mem>>) attributes {dimension_semantics = [#tpu.dimension_semantics<core_parallel>, #tpu.dimension_semantics<subcore_parallel>], iteration_bounds = array<i64: 2, 16>, scalar_prefetch = 0 : i64, scratch_operands = 3 : i64, tpu.core_type = #tpu.core_type<sc_vector_subcore>, window_params = [{transform_indices = #map}, {transform_indices = #map1}, {transform_indices = #map}]} {
    %mul3A = arith.constant 2 : i32
    %mul3A_0 = arith.muli %arg1, %mul3A : i32
    %add3A = arith.addi %mul3A_0, %arg0 : i32
    %mul3A_1 = arith.constant 4096 : i32
    %mul3A_2 = arith.muli %add3A, %mul3A_1 : i32
    %add3A_3 = arith.constant 262144 : i32
    %add3A_4 = arith.addi %add3A_3, %mul3A_2 : i32
    "tpu.region"() ({
      %run_scoped3A = tpu.sem_alloc : memref<!tpu.dma_semaphore, #tpu.memory_space<semaphore_mem>>
      %dma_start3A_11 = tpu.memref_slice %arg3[%add3A_4] : memref<524288xi32, #tpu.memory_space<hbm>> -> memref<4096xi32, #tpu.memory_space<hbm>>
      %dma_start3A_12 = tpu.memref_slice %arg3[%add3A_4] : memref<524288xi32, #tpu.memory_space<hbm>> -> memref<4096xi32, #tpu.memory_space<hbm>>
      tpu.enqueue_dma source(%dma_start3A_12 : memref<4096xi32, #tpu.memory_space<hbm>>) target(%arg5 : memref<4096xi32, #tpu.memory_space<vmem>>) target_semaphore(%run_scoped3A : memref<!tpu.dma_semaphore, #tpu.memory_space<semaphore_mem>>)
      %dma_wait3A_13 = tpu.memref_slice %arg3[%add3A_4] : memref<524288xi32, #tpu.memory_space<hbm>> -> memref<4096xi32, #tpu.memory_space<hbm>>
      %dma_wait3A_14 = tpu.memref_slice %arg3[%add3A_4] : memref<524288xi32, #tpu.memory_space<hbm>> -> memref<4096xi32, #tpu.memory_space<hbm>>
      tpu.wait_dma2 semaphore(%run_scoped3A : memref<!tpu.dma_semaphore, #tpu.memory_space<semaphore_mem>>) src(%dma_wait3A_14 : memref<4096xi32, #tpu.memory_space<hbm>>) dst(%arg5 : memref<4096xi32, #tpu.memory_space<vmem>>)
      tpu.yield
    }) : () -> ()
    %dma_start3A = arith.constant 0 : i32
    %dma_start3A_5 = arith.constant 0 : i32
    %dma_start3A_6 = tpu.memref_slice %arg2[%dma_start3A, %dma_start3A_5] : memref<311296x16xf32, #tpu.memory_space<hbm>> -> memref<311296x16xf32, #tpu.memory_space<hbm>>
    tpu.enqueue_indirect_dma source(%dma_start3A_6 : memref<311296x16xf32, #tpu.memory_space<hbm>>) target(%arg6 : memref<4096x16xf32, #tpu.memory_space<vmem>>) offsets(%arg5 : memref<4096xi32, #tpu.memory_space<vmem>>) semaphore(%arg7 : memref<!tpu.dma_semaphore, #tpu.memory_space<semaphore_mem>>)
    %dma_wait3A = arith.constant 0 : i32
    %dma_wait3A_7 = arith.constant 0 : i32
    %dma_wait3A_8 = tpu.memref_slice %arg2[%dma_wait3A, %dma_wait3A_7] : memref<311296x16xf32, #tpu.memory_space<hbm>> -> memref<311296x16xf32, #tpu.memory_space<hbm>>
    tpu.wait_indirect_dma semaphore(%arg7 : memref<!tpu.dma_semaphore, #tpu.memory_space<semaphore_mem>>) src(%dma_wait3A_8 : memref<311296x16xf32, #tpu.memory_space<hbm>>) dst(%arg6 : memref<4096x16xf32, #tpu.memory_space<vmem>>)
    %mul3A_9 = arith.constant 4096 : i32
    %mul3A_10 = arith.muli %add3A, %mul3A_9 : i32
    "tpu.region"() ({
      %run_scoped3A = tpu.sem_alloc : memref<!tpu.dma_semaphore, #tpu.memory_space<semaphore_mem>>
      %dma_start3A_11 = arith.constant 0 : i32
      %dma_start3A_12 = tpu.memref_slice %arg4[%mul3A_10, %dma_start3A_11] : memref<131072x16xf32, #tpu.memory_space<hbm>> -> memref<4096x16xf32, #tpu.memory_space<hbm>>
      %dma_start3A_13 = arith.constant 0 : i32
      %dma_start3A_14 = tpu.memref_slice %arg4[%mul3A_10, %dma_start3A_13] : memref<131072x16xf32, #tpu.memory_space<hbm>> -> memref<4096x16xf32, #tpu.memory_space<hbm>>
      tpu.enqueue_dma source(%arg6 : memref<4096x16xf32, #tpu.memory_space<vmem>>) target(%dma_start3A_14 : memref<4096x16xf32, #tpu.memory_space<hbm>>) target_semaphore(%run_scoped3A : memref<!tpu.dma_semaphore, #tpu.memory_space<semaphore_mem>>)
      %dma_wait3A_15 = arith.constant 0 : i32
      %dma_wait3A_16 = tpu.memref_slice %arg4[%mul3A_10, %dma_wait3A_15] : memref<131072x16xf32, #tpu.memory_space<hbm>> -> memref<4096x16xf32, #tpu.memory_space<hbm>>
      %dma_wait3A_17 = arith.constant 0 : i32
      %dma_wait3A_18 = tpu.memref_slice %arg4[%mul3A_10, %dma_wait3A_17] : memref<131072x16xf32, #tpu.memory_space<hbm>> -> memref<4096x16xf32, #tpu.memory_space<hbm>>
      tpu.wait_dma2 semaphore(%run_scoped3A : memref<!tpu.dma_semaphore, #tpu.memory_space<semaphore_mem>>) src(%arg6 : memref<4096x16xf32, #tpu.memory_space<vmem>>) dst(%dma_wait3A_18 : memref<4096x16xf32, #tpu.memory_space<hbm>>)
      tpu.yield
    }) : () -> ()
    return
  }
}

module attributes {stable_mosaic.version = 14 : i64} {
  func.func @_fold_body(%arg0: i32, %arg1: memref<16x8192xf32, #tpu.memory_space<vmem>>, %arg2: memref<1024x128xf32, #tpu.memory_space<vmem>>, %arg3: memref<8192x128xf32, #tpu.memory_space<vmem>>) attributes {dimension_semantics = [#tpu.dimension_semantics<arbitrary>], iteration_bounds = array<i64: 38>, scalar_prefetch = 0 : i64, scratch_operands = 1 : i64, tpu.core_type = #tpu.core_type<tc>, window_params = [{transform_indices = @transform_0, window_bounds = array<i64: 16, 8192>}, {transform_indices = @transform_1, window_bounds = array<i64: 1024, 128>}]} {
    %get3A = arith.constant 0 : index
    %get3A_0 = arith.constant 0 : index
    %get3A_1 = vector.load %arg1[%get3A, %get3A_0] : memref<16x8192xf32, #tpu.memory_space<vmem>>, vector<16x8192xf32>
    %transpose3A = tpu.transpose %get3A_1, [1, 0] : vector<16x8192xf32> -> vector<8192x16xf32>
    %swap3A = arith.constant 0 : index
    %swap3A_2 = arith.constant 0 : index
    %swap3A_3 = vector.load %arg3[%swap3A, %swap3A_2] : memref<8192x128xf32, #tpu.memory_space<vmem>>, vector<8192x16xf32>
    tpu.vector_store %arg3[%swap3A, %swap3A_2], %transpose3A {strides = array<i32>} : memref<8192x128xf32, #tpu.memory_space<vmem>>, vector<8192x16xf32>,
    %get3A_4 = arith.constant 0 : index
    %get3A_5 = arith.constant 0 : index
    %get3A_6 = tpu.strided_load %arg3[%get3A_4, %get3A_5] {strides = array<i32: 8, 1>} : memref<8192x128xf32, #tpu.memory_space<vmem>>, vector<1024x16xf32>
    %swap3A_7 = arith.constant 0 : index
    %swap3A_8 = arith.constant 0 : index
    %swap3A_9 = vector.load %arg2[%swap3A_7, %swap3A_8] : memref<1024x128xf32, #tpu.memory_space<vmem>>, vector<1024x16xf32>
    tpu.vector_store %arg2[%swap3A_7, %swap3A_8], %get3A_6 {strides = array<i32>} : memref<1024x128xf32, #tpu.memory_space<vmem>>, vector<1024x16xf32>,
    %get3A_10 = arith.constant 1 : index
    %get3A_11 = arith.constant 0 : index
    %get3A_12 = tpu.strided_load %arg3[%get3A_10, %get3A_11] {strides = array<i32: 8, 1>} : memref<8192x128xf32, #tpu.memory_space<vmem>>, vector<1024x16xf32>
    %swap3A_13 = arith.constant 0 : index
    %swap3A_14 = arith.constant 16 : index
    %swap3A_15 = vector.load %arg2[%swap3A_13, %swap3A_14] : memref<1024x128xf32, #tpu.memory_space<vmem>>, vector<1024x16xf32>
    tpu.vector_store %arg2[%swap3A_13, %swap3A_14], %get3A_12 {strides = array<i32>} : memref<1024x128xf32, #tpu.memory_space<vmem>>, vector<1024x16xf32>,
    %get3A_16 = arith.constant 2 : index
    %get3A_17 = arith.constant 0 : index
    %get3A_18 = tpu.strided_load %arg3[%get3A_16, %get3A_17] {strides = array<i32: 8, 1>} : memref<8192x128xf32, #tpu.memory_space<vmem>>, vector<1024x16xf32>
    %swap3A_19 = arith.constant 0 : index
    %swap3A_20 = arith.constant 32 : index
    %swap3A_21 = vector.load %arg2[%swap3A_19, %swap3A_20] : memref<1024x128xf32, #tpu.memory_space<vmem>>, vector<1024x16xf32>
    tpu.vector_store %arg2[%swap3A_19, %swap3A_20], %get3A_18 {strides = array<i32>} : memref<1024x128xf32, #tpu.memory_space<vmem>>, vector<1024x16xf32>,
    %get3A_22 = arith.constant 3 : index
    %get3A_23 = arith.constant 0 : index
    %get3A_24 = tpu.strided_load %arg3[%get3A_22, %get3A_23] {strides = array<i32: 8, 1>} : memref<8192x128xf32, #tpu.memory_space<vmem>>, vector<1024x16xf32>
    %swap3A_25 = arith.constant 0 : index
    %swap3A_26 = arith.constant 48 : index
    %swap3A_27 = vector.load %arg2[%swap3A_25, %swap3A_26] : memref<1024x128xf32, #tpu.memory_space<vmem>>, vector<1024x16xf32>
    tpu.vector_store %arg2[%swap3A_25, %swap3A_26], %get3A_24 {strides = array<i32>} : memref<1024x128xf32, #tpu.memory_space<vmem>>, vector<1024x16xf32>,
    %get3A_28 = arith.constant 4 : index
    %get3A_29 = arith.constant 0 : index
    %get3A_30 = tpu.strided_load %arg3[%get3A_28, %get3A_29] {strides = array<i32: 8, 1>} : memref<8192x128xf32, #tpu.memory_space<vmem>>, vector<1024x16xf32>
    %swap3A_31 = arith.constant 0 : index
    %swap3A_32 = arith.constant 64 : index
    %swap3A_33 = vector.load %arg2[%swap3A_31, %swap3A_32] : memref<1024x128xf32, #tpu.memory_space<vmem>>, vector<1024x16xf32>
    tpu.vector_store %arg2[%swap3A_31, %swap3A_32], %get3A_30 {strides = array<i32>} : memref<1024x128xf32, #tpu.memory_space<vmem>>, vector<1024x16xf32>,
    %get3A_34 = arith.constant 5 : index
    %get3A_35 = arith.constant 0 : index
    %get3A_36 = tpu.strided_load %arg3[%get3A_34, %get3A_35] {strides = array<i32: 8, 1>} : memref<8192x128xf32, #tpu.memory_space<vmem>>, vector<1024x16xf32>
    %swap3A_37 = arith.constant 0 : index
    %swap3A_38 = arith.constant 80 : index
    %swap3A_39 = vector.load %arg2[%swap3A_37, %swap3A_38] : memref<1024x128xf32, #tpu.memory_space<vmem>>, vector<1024x16xf32>
    tpu.vector_store %arg2[%swap3A_37, %swap3A_38], %get3A_36 {strides = array<i32>} : memref<1024x128xf32, #tpu.memory_space<vmem>>, vector<1024x16xf32>,
    %get3A_40 = arith.constant 6 : index
    %get3A_41 = arith.constant 0 : index
    %get3A_42 = tpu.strided_load %arg3[%get3A_40, %get3A_41] {strides = array<i32: 8, 1>} : memref<8192x128xf32, #tpu.memory_space<vmem>>, vector<1024x16xf32>
    %swap3A_43 = arith.constant 0 : index
    %swap3A_44 = arith.constant 96 : index
    %swap3A_45 = vector.load %arg2[%swap3A_43, %swap3A_44] : memref<1024x128xf32, #tpu.memory_space<vmem>>, vector<1024x16xf32>
    tpu.vector_store %arg2[%swap3A_43, %swap3A_44], %get3A_42 {strides = array<i32>} : memref<1024x128xf32, #tpu.memory_space<vmem>>, vector<1024x16xf32>,
    %get3A_46 = arith.constant 7 : index
    %get3A_47 = arith.constant 0 : index
    %get3A_48 = tpu.strided_load %arg3[%get3A_46, %get3A_47] {strides = array<i32: 8, 1>} : memref<8192x128xf32, #tpu.memory_space<vmem>>, vector<1024x16xf32>
    %swap3A_49 = arith.constant 0 : index
    %swap3A_50 = arith.constant 112 : index
    %swap3A_51 = vector.load %arg2[%swap3A_49, %swap3A_50] : memref<1024x128xf32, #tpu.memory_space<vmem>>, vector<1024x16xf32>
    tpu.vector_store %arg2[%swap3A_49, %swap3A_50], %get3A_48 {strides = array<i32>} : memref<1024x128xf32, #tpu.memory_space<vmem>>, vector<1024x16xf32>,
    return
  }
  func.func @transform_0(%arg0: i32) -> (i32, i32) {
    %add3A = arith.constant 0 : i32
    %add3A_0 = arith.addi %add3A, %arg0 : i32
    %c0_i32 = arith.constant 0 : i32
    %c0_i32_1 = arith.constant 0 : i32
    return %c0_i32, %add3A_0 : i32, i32
  }
  func.func @transform_1(%arg0: i32) -> (i32, i32) {
    %c0_i32 = arith.constant 0 : i32
    %c0_i32_0 = arith.constant 0 : i32
    return %arg0, %c0_i32 : i32, i32
  }
}

module attributes {stable_mosaic.version = 14 : i64} {
  func.func @_fc_fold_body(%arg0: i32, %arg1: memref<1x65536xf32, #tpu.memory_space<vmem>>, %arg2: memref<512x128xf32, #tpu.memory_space<vmem>>) attributes {dimension_semantics = [#tpu.dimension_semantics<arbitrary>], iteration_bounds = array<i64: 16>, scalar_prefetch = 0 : i64, scratch_operands = 0 : i64, tpu.core_type = #tpu.core_type<tc>, window_params = [{transform_indices = @transform_0, window_bounds = array<i64: 1, 65536>}, {transform_indices = @transform_1, window_bounds = array<i64: 512, 128>}]} {
    %get3A = arith.constant 0 : index
    %get3A_0 = arith.constant 0 : index
    %get3A_1 = vector.load %arg1[%get3A, %get3A_0] : memref<1x65536xf32, #tpu.memory_space<vmem>>, vector<1x65536xf32>
    %reshape3A = vector.shape_cast %get3A_1 : vector<1x65536xf32> to vector<512x128xf32>
    %swap3A = arith.constant 0 : index
    %swap3A_2 = arith.constant 0 : index
    %swap3A_3 = vector.load %arg2[%swap3A, %swap3A_2] : memref<512x128xf32, #tpu.memory_space<vmem>>, vector<512x128xf32>
    tpu.vector_store %arg2[%swap3A, %swap3A_2], %reshape3A {strides = array<i32>} : memref<512x128xf32, #tpu.memory_space<vmem>>, vector<512x128xf32>,
    return
  }
  func.func @transform_0(%arg0: i32) -> (i32, i32) {
    %c0_i32 = arith.constant 0 : i32
    %c0_i32_0 = arith.constant 0 : i32
    return %c0_i32, %arg0 : i32, i32
  }
  func.func @transform_1(%arg0: i32) -> (i32, i32) {
    %c0_i32 = arith.constant 0 : i32
    %c0_i32_0 = arith.constant 0 : i32
    return %arg0, %c0_i32 : i32, i32
  }
}

module attributes {stable_mosaic.version = 14 : i64} {
  func.func @_fold_body(%arg0: i32, %arg1: memref<16x8192xf32, #tpu.memory_space<vmem>>, %arg2: memref<1024x128xf32, #tpu.memory_space<vmem>>, %arg3: memref<8192x128xf32, #tpu.memory_space<vmem>>) attributes {dimension_semantics = [#tpu.dimension_semantics<arbitrary>], iteration_bounds = array<i64: 39>, scalar_prefetch = 0 : i64, scratch_operands = 1 : i64, tpu.core_type = #tpu.core_type<tc>, window_params = [{transform_indices = @transform_0, window_bounds = array<i64: 16, 8192>}, {transform_indices = @transform_1, window_bounds = array<i64: 1024, 128>}]} {
    %get3A = arith.constant 0 : index
    %get3A_0 = arith.constant 0 : index
    %get3A_1 = vector.load %arg1[%get3A, %get3A_0] : memref<16x8192xf32, #tpu.memory_space<vmem>>, vector<16x8192xf32>
    %transpose3A = tpu.transpose %get3A_1, [1, 0] : vector<16x8192xf32> -> vector<8192x16xf32>
    %swap3A = arith.constant 0 : index
    %swap3A_2 = arith.constant 0 : index
    %swap3A_3 = vector.load %arg3[%swap3A, %swap3A_2] : memref<8192x128xf32, #tpu.memory_space<vmem>>, vector<8192x16xf32>
    tpu.vector_store %arg3[%swap3A, %swap3A_2], %transpose3A {strides = array<i32>} : memref<8192x128xf32, #tpu.memory_space<vmem>>, vector<8192x16xf32>,
    %get3A_4 = arith.constant 0 : index
    %get3A_5 = arith.constant 0 : index
    %get3A_6 = tpu.strided_load %arg3[%get3A_4, %get3A_5] {strides = array<i32: 8, 1>} : memref<8192x128xf32, #tpu.memory_space<vmem>>, vector<1024x16xf32>
    %swap3A_7 = arith.constant 0 : index
    %swap3A_8 = arith.constant 0 : index
    %swap3A_9 = vector.load %arg2[%swap3A_7, %swap3A_8] : memref<1024x128xf32, #tpu.memory_space<vmem>>, vector<1024x16xf32>
    tpu.vector_store %arg2[%swap3A_7, %swap3A_8], %get3A_6 {strides = array<i32>} : memref<1024x128xf32, #tpu.memory_space<vmem>>, vector<1024x16xf32>,
    %get3A_10 = arith.constant 1 : index
    %get3A_11 = arith.constant 0 : index
    %get3A_12 = tpu.strided_load %arg3[%get3A_10, %get3A_11] {strides = array<i32: 8, 1>} : memref<8192x128xf32, #tpu.memory_space<vmem>>, vector<1024x16xf32>
    %swap3A_13 = arith.constant 0 : index
    %swap3A_14 = arith.constant 16 : index
    %swap3A_15 = vector.load %arg2[%swap3A_13, %swap3A_14] : memref<1024x128xf32, #tpu.memory_space<vmem>>, vector<1024x16xf32>
    tpu.vector_store %arg2[%swap3A_13, %swap3A_14], %get3A_12 {strides = array<i32>} : memref<1024x128xf32, #tpu.memory_space<vmem>>, vector<1024x16xf32>,
    %get3A_16 = arith.constant 2 : index
    %get3A_17 = arith.constant 0 : index
    %get3A_18 = tpu.strided_load %arg3[%get3A_16, %get3A_17] {strides = array<i32: 8, 1>} : memref<8192x128xf32, #tpu.memory_space<vmem>>, vector<1024x16xf32>
    %swap3A_19 = arith.constant 0 : index
    %swap3A_20 = arith.constant 32 : index
    %swap3A_21 = vector.load %arg2[%swap3A_19, %swap3A_20] : memref<1024x128xf32, #tpu.memory_space<vmem>>, vector<1024x16xf32>
    tpu.vector_store %arg2[%swap3A_19, %swap3A_20], %get3A_18 {strides = array<i32>} : memref<1024x128xf32, #tpu.memory_space<vmem>>, vector<1024x16xf32>,
    %get3A_22 = arith.constant 3 : index
    %get3A_23 = arith.constant 0 : index
    %get3A_24 = tpu.strided_load %arg3[%get3A_22, %get3A_23] {strides = array<i32: 8, 1>} : memref<8192x128xf32, #tpu.memory_space<vmem>>, vector<1024x16xf32>
    %swap3A_25 = arith.constant 0 : index
    %swap3A_26 = arith.constant 48 : index
    %swap3A_27 = vector.load %arg2[%swap3A_25, %swap3A_26] : memref<1024x128xf32, #tpu.memory_space<vmem>>, vector<1024x16xf32>
    tpu.vector_store %arg2[%swap3A_25, %swap3A_26], %get3A_24 {strides = array<i32>} : memref<1024x128xf32, #tpu.memory_space<vmem>>, vector<1024x16xf32>,
    %get3A_28 = arith.constant 4 : index
    %get3A_29 = arith.constant 0 : index
    %get3A_30 = tpu.strided_load %arg3[%get3A_28, %get3A_29] {strides = array<i32: 8, 1>} : memref<8192x128xf32, #tpu.memory_space<vmem>>, vector<1024x16xf32>
    %swap3A_31 = arith.constant 0 : index
    %swap3A_32 = arith.constant 64 : index
    %swap3A_33 = vector.load %arg2[%swap3A_31, %swap3A_32] : memref<1024x128xf32, #tpu.memory_space<vmem>>, vector<1024x16xf32>
    tpu.vector_store %arg2[%swap3A_31, %swap3A_32], %get3A_30 {strides = array<i32>} : memref<1024x128xf32, #tpu.memory_space<vmem>>, vector<1024x16xf32>,
    %get3A_34 = arith.constant 5 : index
    %get3A_35 = arith.constant 0 : index
    %get3A_36 = tpu.strided_load %arg3[%get3A_34, %get3A_35] {strides = array<i32: 8, 1>} : memref<8192x128xf32, #tpu.memory_space<vmem>>, vector<1024x16xf32>
    %swap3A_37 = arith.constant 0 : index
    %swap3A_38 = arith.constant 80 : index
    %swap3A_39 = vector.load %arg2[%swap3A_37, %swap3A_38] : memref<1024x128xf32, #tpu.memory_space<vmem>>, vector<1024x16xf32>
    tpu.vector_store %arg2[%swap3A_37, %swap3A_38], %get3A_36 {strides = array<i32>} : memref<1024x128xf32, #tpu.memory_space<vmem>>, vector<1024x16xf32>,
    %get3A_40 = arith.constant 6 : index
    %get3A_41 = arith.constant 0 : index
    %get3A_42 = tpu.strided_load %arg3[%get3A_40, %get3A_41] {strides = array<i32: 8, 1>} : memref<8192x128xf32, #tpu.memory_space<vmem>>, vector<1024x16xf32>
    %swap3A_43 = arith.constant 0 : index
    %swap3A_44 = arith.constant 96 : index
    %swap3A_45 = vector.load %arg2[%swap3A_43, %swap3A_44] : memref<1024x128xf32, #tpu.memory_space<vmem>>, vector<1024x16xf32>
    tpu.vector_store %arg2[%swap3A_43, %swap3A_44], %get3A_42 {strides = array<i32>} : memref<1024x128xf32, #tpu.memory_space<vmem>>, vector<1024x16xf32>,
    %get3A_46 = arith.constant 7 : index
    %get3A_47 = arith.constant 0 : index
    %get3A_48 = tpu.strided_load %arg3[%get3A_46, %get3A_47] {strides = array<i32: 8, 1>} : memref<8192x128xf32, #tpu.memory_space<vmem>>, vector<1024x16xf32>
    %swap3A_49 = arith.constant 0 : index
    %swap3A_50 = arith.constant 112 : index
    %swap3A_51 = vector.load %arg2[%swap3A_49, %swap3A_50] : memref<1024x128xf32, #tpu.memory_space<vmem>>, vector<1024x16xf32>
    tpu.vector_store %arg2[%swap3A_49, %swap3A_50], %get3A_48 {strides = array<i32>} : memref<1024x128xf32, #tpu.memory_space<vmem>>, vector<1024x16xf32>,
    return
  }
  func.func @transform_0(%arg0: i32) -> (i32, i32) {
    %add3A = arith.constant 37 : i32
    %add3A_0 = arith.addi %add3A, %arg0 : i32
    %c0_i32 = arith.constant 0 : i32
    %c0_i32_1 = arith.constant 0 : i32
    return %c0_i32, %add3A_0 : i32, i32
  }
  func.func @transform_1(%arg0: i32) -> (i32, i32) {
    %c0_i32 = arith.constant 0 : i32
    %c0_i32_0 = arith.constant 0 : i32
    return %arg0, %c0_i32 : i32, i32
  }
}

module attributes {stable_mosaic.version = 14 : i64} {
  func.func @_fold_body(%arg0: i32, %arg1: memref<16x8192xf32, #tpu.memory_space<vmem>>, %arg2: memref<1024x128xf32, #tpu.memory_space<vmem>>, %arg3: memref<8192x128xf32, #tpu.memory_space<vmem>>) attributes {dimension_semantics = [#tpu.dimension_semantics<arbitrary>], iteration_bounds = array<i64: 38>, scalar_prefetch = 0 : i64, scratch_operands = 1 : i64, tpu.core_type = #tpu.core_type<tc>, window_params = [{transform_indices = @transform_0, window_bounds = array<i64: 16, 8192>}, {transform_indices = @transform_1, window_bounds = array<i64: 1024, 128>}]} {
    %get3A = arith.constant 0 : index
    %get3A_0 = arith.constant 0 : index
    %get3A_1 = vector.load %arg1[%get3A, %get3A_0] : memref<16x8192xf32, #tpu.memory_space<vmem>>, vector<16x8192xf32>
    %transpose3A = tpu.transpose %get3A_1, [1, 0] : vector<16x8192xf32> -> vector<8192x16xf32>
    %swap3A = arith.constant 0 : index
    %swap3A_2 = arith.constant 0 : index
    %swap3A_3 = vector.load %arg3[%swap3A, %swap3A_2] : memref<8192x128xf32, #tpu.memory_space<vmem>>, vector<8192x16xf32>
    tpu.vector_store %arg3[%swap3A, %swap3A_2], %transpose3A {strides = array<i32>} : memref<8192x128xf32, #tpu.memory_space<vmem>>, vector<8192x16xf32>,
    %get3A_4 = arith.constant 0 : index
    %get3A_5 = arith.constant 0 : index
    %get3A_6 = tpu.strided_load %arg3[%get3A_4, %get3A_5] {strides = array<i32: 8, 1>} : memref<8192x128xf32, #tpu.memory_space<vmem>>, vector<1024x16xf32>
    %swap3A_7 = arith.constant 0 : index
    %swap3A_8 = arith.constant 0 : index
    %swap3A_9 = vector.load %arg2[%swap3A_7, %swap3A_8] : memref<1024x128xf32, #tpu.memory_space<vmem>>, vector<1024x16xf32>
    tpu.vector_store %arg2[%swap3A_7, %swap3A_8], %get3A_6 {strides = array<i32>} : memref<1024x128xf32, #tpu.memory_space<vmem>>, vector<1024x16xf32>,
    %get3A_10 = arith.constant 1 : index
    %get3A_11 = arith.constant 0 : index
    %get3A_12 = tpu.strided_load %arg3[%get3A_10, %get3A_11] {strides = array<i32: 8, 1>} : memref<8192x128xf32, #tpu.memory_space<vmem>>, vector<1024x16xf32>
    %swap3A_13 = arith.constant 0 : index
    %swap3A_14 = arith.constant 16 : index
    %swap3A_15 = vector.load %arg2[%swap3A_13, %swap3A_14] : memref<1024x128xf32, #tpu.memory_space<vmem>>, vector<1024x16xf32>
    tpu.vector_store %arg2[%swap3A_13, %swap3A_14], %get3A_12 {strides = array<i32>} : memref<1024x128xf32, #tpu.memory_space<vmem>>, vector<1024x16xf32>,
    %get3A_16 = arith.constant 2 : index
    %get3A_17 = arith.constant 0 : index
    %get3A_18 = tpu.strided_load %arg3[%get3A_16, %get3A_17] {strides = array<i32: 8, 1>} : memref<8192x128xf32, #tpu.memory_space<vmem>>, vector<1024x16xf32>
    %swap3A_19 = arith.constant 0 : index
    %swap3A_20 = arith.constant 32 : index
    %swap3A_21 = vector.load %arg2[%swap3A_19, %swap3A_20] : memref<1024x128xf32, #tpu.memory_space<vmem>>, vector<1024x16xf32>
    tpu.vector_store %arg2[%swap3A_19, %swap3A_20], %get3A_18 {strides = array<i32>} : memref<1024x128xf32, #tpu.memory_space<vmem>>, vector<1024x16xf32>,
    %get3A_22 = arith.constant 3 : index
    %get3A_23 = arith.constant 0 : index
    %get3A_24 = tpu.strided_load %arg3[%get3A_22, %get3A_23] {strides = array<i32: 8, 1>} : memref<8192x128xf32, #tpu.memory_space<vmem>>, vector<1024x16xf32>
    %swap3A_25 = arith.constant 0 : index
    %swap3A_26 = arith.constant 48 : index
    %swap3A_27 = vector.load %arg2[%swap3A_25, %swap3A_26] : memref<1024x128xf32, #tpu.memory_space<vmem>>, vector<1024x16xf32>
    tpu.vector_store %arg2[%swap3A_25, %swap3A_26], %get3A_24 {strides = array<i32>} : memref<1024x128xf32, #tpu.memory_space<vmem>>, vector<1024x16xf32>,
    %get3A_28 = arith.constant 4 : index
    %get3A_29 = arith.constant 0 : index
    %get3A_30 = tpu.strided_load %arg3[%get3A_28, %get3A_29] {strides = array<i32: 8, 1>} : memref<8192x128xf32, #tpu.memory_space<vmem>>, vector<1024x16xf32>
    %swap3A_31 = arith.constant 0 : index
    %swap3A_32 = arith.constant 64 : index
    %swap3A_33 = vector.load %arg2[%swap3A_31, %swap3A_32] : memref<1024x128xf32, #tpu.memory_space<vmem>>, vector<1024x16xf32>
    tpu.vector_store %arg2[%swap3A_31, %swap3A_32], %get3A_30 {strides = array<i32>} : memref<1024x128xf32, #tpu.memory_space<vmem>>, vector<1024x16xf32>,
    %get3A_34 = arith.constant 5 : index
    %get3A_35 = arith.constant 0 : index
    %get3A_36 = tpu.strided_load %arg3[%get3A_34, %get3A_35] {strides = array<i32: 8, 1>} : memref<8192x128xf32, #tpu.memory_space<vmem>>, vector<1024x16xf32>
    %swap3A_37 = arith.constant 0 : index
    %swap3A_38 = arith.constant 80 : index
    %swap3A_39 = vector.load %arg2[%swap3A_37, %swap3A_38] : memref<1024x128xf32, #tpu.memory_space<vmem>>, vector<1024x16xf32>
    tpu.vector_store %arg2[%swap3A_37, %swap3A_38], %get3A_36 {strides = array<i32>} : memref<1024x128xf32, #tpu.memory_space<vmem>>, vector<1024x16xf32>,
    %get3A_40 = arith.constant 6 : index
    %get3A_41 = arith.constant 0 : index
    %get3A_42 = tpu.strided_load %arg3[%get3A_40, %get3A_41] {strides = array<i32: 8, 1>} : memref<8192x128xf32, #tpu.memory_space<vmem>>, vector<1024x16xf32>
    %swap3A_43 = arith.constant 0 : index
    %swap3A_44 = arith.constant 96 : index
    %swap3A_45 = vector.load %arg2[%swap3A_43, %swap3A_44] : memref<1024x128xf32, #tpu.memory_space<vmem>>, vector<1024x16xf32>
    tpu.vector_store %arg2[%swap3A_43, %swap3A_44], %get3A_42 {strides = array<i32>} : memref<1024x128xf32, #tpu.memory_space<vmem>>, vector<1024x16xf32>,
    %get3A_46 = arith.constant 7 : index
    %get3A_47 = arith.constant 0 : index
    %get3A_48 = tpu.strided_load %arg3[%get3A_46, %get3A_47] {strides = array<i32: 8, 1>} : memref<8192x128xf32, #tpu.memory_space<vmem>>, vector<1024x16xf32>
    %swap3A_49 = arith.constant 0 : index
    %swap3A_50 = arith.constant 112 : index
    %swap3A_51 = vector.load %arg2[%swap3A_49, %swap3A_50] : memref<1024x128xf32, #tpu.memory_space<vmem>>, vector<1024x16xf32>
    tpu.vector_store %arg2[%swap3A_49, %swap3A_50], %get3A_48 {strides = array<i32>} : memref<1024x128xf32, #tpu.memory_space<vmem>>, vector<1024x16xf32>,
    return
  }
  func.func @transform_0(%arg0: i32) -> (i32, i32) {
    %add3A = arith.constant 75 : i32
    %add3A_0 = arith.addi %add3A, %arg0 : i32
    %c0_i32 = arith.constant 0 : i32
    %c0_i32_1 = arith.constant 0 : i32
    return %c0_i32, %add3A_0 : i32, i32
  }
  func.func @transform_1(%arg0: i32) -> (i32, i32) {
    %c0_i32 = arith.constant 0 : i32
    %c0_i32_0 = arith.constant 0 : i32
    return %arg0, %c0_i32 : i32, i32
  }
}

module attributes {stable_mosaic.version = 14 : i64} {
  func.func @_fold_body(%arg0: i32, %arg1: memref<16x8192xf32, #tpu.memory_space<vmem>>, %arg2: memref<1024x128xf32, #tpu.memory_space<vmem>>, %arg3: memref<8192x128xf32, #tpu.memory_space<vmem>>) attributes {dimension_semantics = [#tpu.dimension_semantics<arbitrary>], iteration_bounds = array<i64: 11>, scalar_prefetch = 0 : i64, scratch_operands = 1 : i64, tpu.core_type = #tpu.core_type<tc>, window_params = [{transform_indices = @transform_0, window_bounds = array<i64: 16, 8192>}, {transform_indices = @transform_1, window_bounds = array<i64: 1024, 128>}]} {
    %get3A = arith.constant 0 : index
    %get3A_0 = arith.constant 0 : index
    %get3A_1 = vector.load %arg1[%get3A, %get3A_0] : memref<16x8192xf32, #tpu.memory_space<vmem>>, vector<16x8192xf32>
    %transpose3A = tpu.transpose %get3A_1, [1, 0] : vector<16x8192xf32> -> vector<8192x16xf32>
    %swap3A = arith.constant 0 : index
    %swap3A_2 = arith.constant 0 : index
    %swap3A_3 = vector.load %arg3[%swap3A, %swap3A_2] : memref<8192x128xf32, #tpu.memory_space<vmem>>, vector<8192x16xf32>
    tpu.vector_store %arg3[%swap3A, %swap3A_2], %transpose3A {strides = array<i32>} : memref<8192x128xf32, #tpu.memory_space<vmem>>, vector<8192x16xf32>,
    %get3A_4 = arith.constant 0 : index
    %get3A_5 = arith.constant 0 : index
    %get3A_6 = tpu.strided_load %arg3[%get3A_4, %get3A_5] {strides = array<i32: 8, 1>} : memref<8192x128xf32, #tpu.memory_space<vmem>>, vector<1024x16xf32>
    %swap3A_7 = arith.constant 0 : index
    %swap3A_8 = arith.constant 0 : index
    %swap3A_9 = vector.load %arg2[%swap3A_7, %swap3A_8] : memref<1024x128xf32, #tpu.memory_space<vmem>>, vector<1024x16xf32>
    tpu.vector_store %arg2[%swap3A_7, %swap3A_8], %get3A_6 {strides = array<i32>} : memref<1024x128xf32, #tpu.memory_space<vmem>>, vector<1024x16xf32>,
    %get3A_10 = arith.constant 1 : index
    %get3A_11 = arith.constant 0 : index
    %get3A_12 = tpu.strided_load %arg3[%get3A_10, %get3A_11] {strides = array<i32: 8, 1>} : memref<8192x128xf32, #tpu.memory_space<vmem>>, vector<1024x16xf32>
    %swap3A_13 = arith.constant 0 : index
    %swap3A_14 = arith.constant 16 : index
    %swap3A_15 = vector.load %arg2[%swap3A_13, %swap3A_14] : memref<1024x128xf32, #tpu.memory_space<vmem>>, vector<1024x16xf32>
    tpu.vector_store %arg2[%swap3A_13, %swap3A_14], %get3A_12 {strides = array<i32>} : memref<1024x128xf32, #tpu.memory_space<vmem>>, vector<1024x16xf32>,
    %get3A_16 = arith.constant 2 : index
    %get3A_17 = arith.constant 0 : index
    %get3A_18 = tpu.strided_load %arg3[%get3A_16, %get3A_17] {strides = array<i32: 8, 1>} : memref<8192x128xf32, #tpu.memory_space<vmem>>, vector<1024x16xf32>
    %swap3A_19 = arith.constant 0 : index
    %swap3A_20 = arith.constant 32 : index
    %swap3A_21 = vector.load %arg2[%swap3A_19, %swap3A_20] : memref<1024x128xf32, #tpu.memory_space<vmem>>, vector<1024x16xf32>
    tpu.vector_store %arg2[%swap3A_19, %swap3A_20], %get3A_18 {strides = array<i32>} : memref<1024x128xf32, #tpu.memory_space<vmem>>, vector<1024x16xf32>,
    %get3A_22 = arith.constant 3 : index
    %get3A_23 = arith.constant 0 : index
    %get3A_24 = tpu.strided_load %arg3[%get3A_22, %get3A_23] {strides = array<i32: 8, 1>} : memref<8192x128xf32, #tpu.memory_space<vmem>>, vector<1024x16xf32>
    %swap3A_25 = arith.constant 0 : index
    %swap3A_26 = arith.constant 48 : index
    %swap3A_27 = vector.load %arg2[%swap3A_25, %swap3A_26] : memref<1024x128xf32, #tpu.memory_space<vmem>>, vector<1024x16xf32>
    tpu.vector_store %arg2[%swap3A_25, %swap3A_26], %get3A_24 {strides = array<i32>} : memref<1024x128xf32, #tpu.memory_space<vmem>>, vector<1024x16xf32>,
    %get3A_28 = arith.constant 4 : index
    %get3A_29 = arith.constant 0 : index
    %get3A_30 = tpu.strided_load %arg3[%get3A_28, %get3A_29] {strides = array<i32: 8, 1>} : memref<8192x128xf32, #tpu.memory_space<vmem>>, vector<1024x16xf32>
    %swap3A_31 = arith.constant 0 : index
    %swap3A_32 = arith.constant 64 : index
    %swap3A_33 = vector.load %arg2[%swap3A_31, %swap3A_32] : memref<1024x128xf32, #tpu.memory_space<vmem>>, vector<1024x16xf32>
    tpu.vector_store %arg2[%swap3A_31, %swap3A_32], %get3A_30 {strides = array<i32>} : memref<1024x128xf32, #tpu.memory_space<vmem>>, vector<1024x16xf32>,
    %get3A_34 = arith.constant 5 : index
    %get3A_35 = arith.constant 0 : index
    %get3A_36 = tpu.strided_load %arg3[%get3A_34, %get3A_35] {strides = array<i32: 8, 1>} : memref<8192x128xf32, #tpu.memory_space<vmem>>, vector<1024x16xf32>
    %swap3A_37 = arith.constant 0 : index
    %swap3A_38 = arith.constant 80 : index
    %swap3A_39 = vector.load %arg2[%swap3A_37, %swap3A_38] : memref<1024x128xf32, #tpu.memory_space<vmem>>, vector<1024x16xf32>
    tpu.vector_store %arg2[%swap3A_37, %swap3A_38], %get3A_36 {strides = array<i32>} : memref<1024x128xf32, #tpu.memory_space<vmem>>, vector<1024x16xf32>,
    %get3A_40 = arith.constant 6 : index
    %get3A_41 = arith.constant 0 : index
    %get3A_42 = tpu.strided_load %arg3[%get3A_40, %get3A_41] {strides = array<i32: 8, 1>} : memref<8192x128xf32, #tpu.memory_space<vmem>>, vector<1024x16xf32>
    %swap3A_43 = arith.constant 0 : index
    %swap3A_44 = arith.constant 96 : index
    %swap3A_45 = vector.load %arg2[%swap3A_43, %swap3A_44] : memref<1024x128xf32, #tpu.memory_space<vmem>>, vector<1024x16xf32>
    tpu.vector_store %arg2[%swap3A_43, %swap3A_44], %get3A_42 {strides = array<i32>} : memref<1024x128xf32, #tpu.memory_space<vmem>>, vector<1024x16xf32>,
    %get3A_46 = arith.constant 7 : index
    %get3A_47 = arith.constant 0 : index
    %get3A_48 = tpu.strided_load %arg3[%get3A_46, %get3A_47] {strides = array<i32: 8, 1>} : memref<8192x128xf32, #tpu.memory_space<vmem>>, vector<1024x16xf32>
    %swap3A_49 = arith.constant 0 : index
    %swap3A_50 = arith.constant 112 : index
    %swap3A_51 = vector.load %arg2[%swap3A_49, %swap3A_50] : memref<1024x128xf32, #tpu.memory_space<vmem>>, vector<1024x16xf32>
    tpu.vector_store %arg2[%swap3A_49, %swap3A_50], %get3A_48 {strides = array<i32>} : memref<1024x128xf32, #tpu.memory_space<vmem>>, vector<1024x16xf32>,
    return
  }
  func.func @transform_0(%arg0: i32) -> (i32, i32) {
    %add3A = arith.constant 112 : i32
    %add3A_0 = arith.addi %add3A, %arg0 : i32
    %c0_i32 = arith.constant 0 : i32
    %c0_i32_1 = arith.constant 0 : i32
    return %c0_i32, %add3A_0 : i32, i32
  }
  func.func @transform_1(%arg0: i32) -> (i32, i32) {
    %c0_i32 = arith.constant 0 : i32
    %c0_i32_0 = arith.constant 0 : i32
    return %arg0, %c0_i32 : i32, i32
  }
}

module attributes {stable_mosaic.version = 14 : i64} {
  func.func @_tc_body(%arg0: i32, %arg1: memref<1024x128xf32, #tpu.memory_space<vmem>>, %arg2: memref<1024x128xf32, #tpu.memory_space<vmem>>, %arg3: memref<1024x128xf32, #tpu.memory_space<vmem>>, %arg4: memref<1024x128xf32, #tpu.memory_space<vmem>>, %arg5: memref<1024x26xf32, #tpu.memory_space<vmem>>, %arg6: memref<512x16xf32, #tpu.memory_space<vmem>>, %arg7: memref<512x128xf32, #tpu.memory_space<vmem>>, %arg8: memref<1x128xf32, #tpu.memory_space<vmem>>, %arg9: memref<128x64xf32, #tpu.memory_space<vmem>>, %arg10: memref<1x64xf32, #tpu.memory_space<vmem>>, %arg11: memref<1x64xf32, #tpu.memory_space<vmem>>, %arg12: memref<1x1xf32, #tpu.memory_space<vmem>>, %arg13: memref<1024xf32, #tpu.memory_space<vmem>>) attributes {dimension_semantics = [#tpu.dimension_semantics<arbitrary>], iteration_bounds = array<i64: 16>, scalar_prefetch = 0 : i64, scratch_operands = 0 : i64, tpu.core_type = #tpu.core_type<tc>, window_params = [{transform_indices = @transform_0, window_bounds = array<i64: 1024, 128>}, {transform_indices = @transform_1, window_bounds = array<i64: 1024, 128>}, {transform_indices = @transform_2, window_bounds = array<i64: 1024, 128>}, {transform_indices = @transform_3, window_bounds = array<i64: 1024, 128>}, {transform_indices = @transform_4, window_bounds = array<i64: 1024, 26>}, {pipeline_mode = #tpu.pipeline_mode<synchronous>, transform_indices = @transform_5, window_bounds = array<i64: 512, 16>}, {pipeline_mode = #tpu.pipeline_mode<synchronous>, transform_indices = @transform_6, window_bounds = array<i64: 512, 128>}, {pipeline_mode = #tpu.pipeline_mode<synchronous>, transform_indices = @transform_7, window_bounds = array<i64: 1, 128>}, {pipeline_mode = #tpu.pipeline_mode<synchronous>, transform_indices = @transform_8, window_bounds = array<i64: 128, 64>}, {pipeline_mode = #tpu.pipeline_mode<synchronous>, transform_indices = @transform_9, window_bounds = array<i64: 1, 64>}, {pipeline_mode = #tpu.pipeline_mode<synchronous>, transform_indices = @transform_10, window_bounds = array<i64: 1, 64>}, {pipeline_mode = #tpu.pipeline_mode<synchronous>, transform_indices = @transform_11, window_bounds = array<i64: 1, 1>}, {transform_indices = @transform_12, window_bounds = array<i64: 1024>}]} {
    %get3A = arith.constant 0 : index
    %get3A_0 = arith.constant 0 : index
    %get3A_1 = vector.load %arg1[%get3A, %get3A_0] : memref<1024x128xf32, #tpu.memory_space<vmem>>, vector<1024x128xf32>
    %get3A_2 = arith.constant 0 : index
    %get3A_3 = arith.constant 0 : index
    %get3A_4 = vector.load %arg2[%get3A_2, %get3A_3] : memref<1024x128xf32, #tpu.memory_space<vmem>>, vector<1024x128xf32>
    %get3A_5 = arith.constant 0 : index
    %get3A_6 = arith.constant 0 : index
    %get3A_7 = vector.load %arg3[%get3A_5, %get3A_6] : memref<1024x128xf32, #tpu.memory_space<vmem>>, vector<1024x128xf32>
    %get3A_8 = arith.constant 0 : index
    %get3A_9 = arith.constant 0 : index
    %get3A_10 = vector.load %arg4[%get3A_8, %get3A_9] : memref<1024x128xf32, #tpu.memory_space<vmem>>, vector<1024x128xf32>
    %broadcast_in_dim3A = arith.constant 0.000000e+00 : f32
    %broadcast_in_dim3A_11 = vector.broadcast %broadcast_in_dim3A : f32 to vector<1024x16xf32>
    %broadcast_in_dim3A_12 = arith.constant 0.000000e+00 : f32
    %broadcast_in_dim3A_13 = vector.broadcast %broadcast_in_dim3A_12 : f32 to vector<1024x128xf32>
    %broadcast_in_dim3A_14 = arith.constant 0.000000e+00 : f32
    %broadcast_in_dim3A_15 = vector.broadcast %broadcast_in_dim3A_14 : f32 to vector<1024xf32>
    %get3A_16 = arith.constant 0 : index
    %get3A_17 = arith.constant 0 : index
    %get3A_18 = vector.load %arg7[%get3A_16, %get3A_17] : memref<512x128xf32, #tpu.memory_space<vmem>>, vector<128x128xf32>
    %dot_general3A = arith.constant dense<0.000000e+00> : vector<1024x128xf32>
    %dot_general3A_19 = tpu.matmul %get3A_1, %get3A_18, %dot_general3A {dimension_numbers = #tpu.dot_dimension_numbers<[1], [0], [0], [1], [0, 0, 1, 1], [], []>, transpose_lhs_hint = false} : vector<1024x128xf32>, vector<128x128xf32>, vector<1024x128xf32> -> vector<1024x128xf32>
    %add3A = arith.addf %broadcast_in_dim3A_13, %dot_general3A_19 : vector<1024x128xf32>
    %get3A_20 = arith.constant 0 : index
    %get3A_21 = arith.constant 0 : index
    %get3A_22 = vector.load %arg6[%get3A_20, %get3A_21] : memref<512x16xf32, #tpu.memory_space<vmem>>, vector<128x16xf32>
    %dot_general3A_23 = arith.constant dense<0.000000e+00> : vector<1024x16xf32>
    %dot_general3A_24 = tpu.matmul %get3A_1, %get3A_22, %dot_general3A_23 {dimension_numbers = #tpu.dot_dimension_numbers<[1], [0], [0], [1], [0, 0, 1, 1], [], []>, transpose_lhs_hint = false} : vector<1024x128xf32>, vector<128x16xf32>, vector<1024x16xf32> -> vector<1024x16xf32>
    %add3A_25 = arith.addf %broadcast_in_dim3A_11, %dot_general3A_24 : vector<1024x16xf32>
    %mul3A = arith.mulf %get3A_1, %get3A_1 : vector<1024x128xf32>
    %reduce_sum3A = arith.constant dense<0.000000e+00> : vector<1024xf32>
    %reduce_sum3A_26 = vector.multi_reduction <add>, %mul3A, %reduce_sum3A [1] : vector<1024x128xf32> to vector<1024xf32>
    %add3A_27 = arith.addf %broadcast_in_dim3A_15, %reduce_sum3A_26 : vector<1024xf32>
    %get3A_28 = arith.constant 128 : index
    %get3A_29 = arith.constant 0 : index
    %get3A_30 = vector.load %arg7[%get3A_28, %get3A_29] : memref<512x128xf32, #tpu.memory_space<vmem>>, vector<128x128xf32>
    %dot_general3A_31 = arith.constant dense<0.000000e+00> : vector<1024x128xf32>
    %dot_general3A_32 = tpu.matmul %get3A_4, %get3A_30, %dot_general3A_31 {dimension_numbers = #tpu.dot_dimension_numbers<[1], [0], [0], [1], [0, 0, 1, 1], [], []>, transpose_lhs_hint = false} : vector<1024x128xf32>, vector<128x128xf32>, vector<1024x128xf32> -> vector<1024x128xf32>
    %add3A_33 = arith.addf %add3A, %dot_general3A_32 : vector<1024x128xf32>
    %get3A_34 = arith.constant 128 : index
    %get3A_35 = arith.constant 0 : index
    %get3A_36 = vector.load %arg6[%get3A_34, %get3A_35] : memref<512x16xf32, #tpu.memory_space<vmem>>, vector<128x16xf32>
    %dot_general3A_37 = arith.constant dense<0.000000e+00> : vector<1024x16xf32>
    %dot_general3A_38 = tpu.matmul %get3A_4, %get3A_36, %dot_general3A_37 {dimension_numbers = #tpu.dot_dimension_numbers<[1], [0], [0], [1], [0, 0, 1, 1], [], []>, transpose_lhs_hint = false} : vector<1024x128xf32>, vector<128x16xf32>, vector<1024x16xf32> -> vector<1024x16xf32>
    %add3A_39 = arith.addf %add3A_25, %dot_general3A_38 : vector<1024x16xf32>
    %mul3A_40 = arith.mulf %get3A_4, %get3A_4 : vector<1024x128xf32>
    %reduce_sum3A_41 = arith.constant dense<0.000000e+00> : vector<1024xf32>
    %reduce_sum3A_42 = vector.multi_reduction <add>, %mul3A_40, %reduce_sum3A_41 [1] : vector<1024x128xf32> to vector<1024xf32>
    %add3A_43 = arith.addf %add3A_27, %reduce_sum3A_42 : vector<1024xf32>
    %get3A_44 = arith.constant 256 : index
    %get3A_45 = arith.constant 0 : index
    %get3A_46 = vector.load %arg7[%get3A_44, %get3A_45] : memref<512x128xf32, #tpu.memory_space<vmem>>, vector<128x128xf32>
    %dot_general3A_47 = arith.constant dense<0.000000e+00> : vector<1024x128xf32>
    %dot_general3A_48 = tpu.matmul %get3A_7, %get3A_46, %dot_general3A_47 {dimension_numbers = #tpu.dot_dimension_numbers<[1], [0], [0], [1], [0, 0, 1, 1], [], []>, transpose_lhs_hint = false} : vector<1024x128xf32>, vector<128x128xf32>, vector<1024x128xf32> -> vector<1024x128xf32>
    %add3A_49 = arith.addf %add3A_33, %dot_general3A_48 : vector<1024x128xf32>
    %get3A_50 = arith.constant 256 : index
    %get3A_51 = arith.constant 0 : index
    %get3A_52 = vector.load %arg6[%get3A_50, %get3A_51] : memref<512x16xf32, #tpu.memory_space<vmem>>, vector<128x16xf32>
    %dot_general3A_53 = arith.constant dense<0.000000e+00> : vector<1024x16xf32>
    %dot_general3A_54 = tpu.matmul %get3A_7, %get3A_52, %dot_general3A_53 {dimension_numbers = #tpu.dot_dimension_numbers<[1], [0], [0], [1], [0, 0, 1, 1], [], []>, transpose_lhs_hint = false} : vector<1024x128xf32>, vector<128x16xf32>, vector<1024x16xf32> -> vector<1024x16xf32>
    %add3A_55 = arith.addf %add3A_39, %dot_general3A_54 : vector<1024x16xf32>
    %mul3A_56 = arith.mulf %get3A_7, %get3A_7 : vector<1024x128xf32>
    %reduce_sum3A_57 = arith.constant dense<0.000000e+00> : vector<1024xf32>
    %reduce_sum3A_58 = vector.multi_reduction <add>, %mul3A_56, %reduce_sum3A_57 [1] : vector<1024x128xf32> to vector<1024xf32>
    %add3A_59 = arith.addf %add3A_43, %reduce_sum3A_58 : vector<1024xf32>
    %get3A_60 = arith.constant 384 : index
    %get3A_61 = arith.constant 0 : index
    %get3A_62 = vector.load %arg7[%get3A_60, %get3A_61] : memref<512x128xf32, #tpu.memory_space<vmem>>, vector<128x128xf32>
    %dot_general3A_63 = arith.constant dense<0.000000e+00> : vector<1024x128xf32>
    %dot_general3A_64 = tpu.matmul %get3A_10, %get3A_62, %dot_general3A_63 {dimension_numbers = #tpu.dot_dimension_numbers<[1], [0], [0], [1], [0, 0, 1, 1], [], []>, transpose_lhs_hint = false} : vector<1024x128xf32>, vector<128x128xf32>, vector<1024x128xf32> -> vector<1024x128xf32>
    %add3A_65 = arith.addf %add3A_49, %dot_general3A_64 : vector<1024x128xf32>
    %get3A_66 = arith.constant 384 : index
    %get3A_67 = arith.constant 0 : index
    %get3A_68 = vector.load %arg6[%get3A_66, %get3A_67] : memref<512x16xf32, #tpu.memory_space<vmem>>, vector<128x16xf32>
    %dot_general3A_69 = arith.constant dense<0.000000e+00> : vector<1024x16xf32>
    %dot_general3A_70 = tpu.matmul %get3A_10, %get3A_68, %dot_general3A_69 {dimension_numbers = #tpu.dot_dimension_numbers<[1], [0], [0], [1], [0, 0, 1, 1], [], []>, transpose_lhs_hint = false} : vector<1024x128xf32>, vector<128x16xf32>, vector<1024x16xf32> -> vector<1024x16xf32>
    %add3A_71 = arith.addf %add3A_55, %dot_general3A_70 : vector<1024x16xf32>
    %slice3A = vector.extract_strided_slice %get3A_10 {offsets = [0, 0], sizes = [1024, 32], strides = [1, 1]} : vector<1024x128xf32> to vector<1024x32xf32>
    %mul3A_72 = arith.mulf %slice3A, %slice3A : vector<1024x32xf32>
    %reduce_sum3A_73 = arith.constant dense<0.000000e+00> : vector<1024xf32>
    %reduce_sum3A_74 = vector.multi_reduction <add>, %mul3A_72, %reduce_sum3A_73 [1] : vector<1024x32xf32> to vector<1024xf32>
    %add3A_75 = arith.addf %add3A_59, %reduce_sum3A_74 : vector<1024xf32>
    %mul3A_76 = arith.mulf %add3A_71, %add3A_71 : vector<1024x16xf32>
    %reduce_sum3A_77 = arith.constant dense<0.000000e+00> : vector<1024xf32>
    %reduce_sum3A_78 = vector.multi_reduction <add>, %mul3A_76, %reduce_sum3A_77 [1] : vector<1024x16xf32> to vector<1024xf32>
    %sub3A = arith.subf %reduce_sum3A_78, %add3A_75 : vector<1024xf32>
    %mul3A_79 = arith.constant 5.000000e-01 : f32
    %mul3A_80 = vector.broadcast %mul3A_79 : f32 to vector<1024xf32>
    %mul3A_81 = arith.mulf %mul3A_80, %sub3A : vector<1024xf32>
    %get3A_82 = arith.constant 0 : index
    %get3A_83 = arith.constant 0 : index
    %get3A_84 = vector.load %arg5[%get3A_82, %get3A_83] : memref<1024x26xf32, #tpu.memory_space<vmem>>, vector<1024x26xf32>
    %reduce_sum3A_85 = arith.constant dense<0.000000e+00> : vector<1024xf32>
    %reduce_sum3A_86 = vector.multi_reduction <add>, %get3A_84, %reduce_sum3A_85 [1] : vector<1024x26xf32> to vector<1024xf32>
    %get3A_87 = arith.constant 0 : index
    %get3A_88 = arith.constant 0 : index
    %get3A_89 = vector.load %arg8[%get3A_87, %get3A_88] : memref<1x128xf32, #tpu.memory_space<vmem>>, vector<1x128xf32>
    %add3A_90 = vector.broadcast %get3A_89 : vector<1x128xf32> to vector<1024x128xf32>
    %add3A_91 = arith.addf %add3A_65, %add3A_90 : vector<1024x128xf32>
    %max3A = arith.constant 0.000000e+00 : f32
    %max3A_92 = vector.broadcast %max3A : f32 to vector<1024x128xf32>
    %max3A_93 = arith.maximumf %add3A_91, %max3A_92 : vector<1024x128xf32>
    %get3A_94 = arith.constant 0 : index
    %get3A_95 = arith.constant 0 : index
    %get3A_96 = vector.load %arg9[%get3A_94, %get3A_95] : memref<128x64xf32, #tpu.memory_space<vmem>>, vector<128x64xf32>
    %dot_general3A_97 = arith.constant dense<0.000000e+00> : vector<1024x64xf32>
    %dot_general3A_98 = tpu.matmul %max3A_93, %get3A_96, %dot_general3A_97 {dimension_numbers = #tpu.dot_dimension_numbers<[1], [0], [0], [1], [0, 0, 1, 1], [], []>, transpose_lhs_hint = false} : vector<1024x128xf32>, vector<128x64xf32>, vector<1024x64xf32> -> vector<1024x64xf32>
    %get3A_99 = arith.constant 0 : index
    %get3A_100 = arith.constant 0 : index
    %get3A_101 = vector.load %arg10[%get3A_99, %get3A_100] : memref<1x64xf32, #tpu.memory_space<vmem>>, vector<1x64xf32>
    %add3A_102 = vector.broadcast %get3A_101 : vector<1x64xf32> to vector<1024x64xf32>
    %add3A_103 = arith.addf %dot_general3A_98, %add3A_102 : vector<1024x64xf32>
    %max3A_104 = arith.constant 0.000000e+00 : f32
    %max3A_105 = vector.broadcast %max3A_104 : f32 to vector<1024x64xf32>
    %max3A_106 = arith.maximumf %add3A_103, %max3A_105 : vector<1024x64xf32>
    %get3A_107 = arith.constant 0 : index
    %get3A_108 = arith.constant 0 : index
    %get3A_109 = vector.load %arg11[%get3A_107, %get3A_108] : memref<1x64xf32, #tpu.memory_space<vmem>>, vector<1x64xf32>
    %mul3A_110 = vector.broadcast %get3A_109 : vector<1x64xf32> to vector<1024x64xf32>
    %mul3A_111 = arith.mulf %max3A_106, %mul3A_110 : vector<1024x64xf32>
    %reduce_sum3A_112 = arith.constant dense<0.000000e+00> : vector<1024xf32>
    %reduce_sum3A_113 = vector.multi_reduction <add>, %mul3A_111, %reduce_sum3A_112 [1] : vector<1024x64xf32> to vector<1024xf32>
    %add3A_114 = arith.addf %reduce_sum3A_86, %mul3A_81 : vector<1024xf32>
    %add3A_115 = arith.addf %add3A_114, %reduce_sum3A_113 : vector<1024xf32>
    %get3A_116 = arith.constant 0 : index
    %get3A_117 = arith.constant 0 : index
    %get3A_118 = vector.load %arg12[%get3A_116, %get3A_117] : memref<1x1xf32, #tpu.memory_space<vmem>>, vector<1x1xf32>
    %get3A_119 = vector.extract %get3A_118[0, 0] : f32 from vector<1x1xf32>
    %add3A_120 = vector.broadcast %get3A_119 : f32 to vector<1024xf32>
    %add3A_121 = arith.addf %add3A_115, %add3A_120 : vector<1024xf32>
    %swap3A = arith.constant 0 : index
    %swap3A_122 = vector.load %arg13[%swap3A] : memref<1024xf32, #tpu.memory_space<vmem>>, vector<1024xf32>
    tpu.vector_store %arg13[%swap3A], %add3A_121 {strides = array<i32>} : memref<1024xf32, #tpu.memory_space<vmem>>, vector<1024xf32>,
    return
  }
  func.func @transform_0(%arg0: i32) -> (i32, i32) {
    %c0_i32 = arith.constant 0 : i32
    %c0_i32_0 = arith.constant 0 : i32
    return %arg0, %c0_i32 : i32, i32
  }
  func.func @transform_1(%arg0: i32) -> (i32, i32) {
    %c0_i32 = arith.constant 0 : i32
    %c0_i32_0 = arith.constant 0 : i32
    return %arg0, %c0_i32 : i32, i32
  }
  func.func @transform_2(%arg0: i32) -> (i32, i32) {
    %c0_i32 = arith.constant 0 : i32
    %c0_i32_0 = arith.constant 0 : i32
    return %arg0, %c0_i32 : i32, i32
  }
  func.func @transform_3(%arg0: i32) -> (i32, i32) {
    %c0_i32 = arith.constant 0 : i32
    %c0_i32_0 = arith.constant 0 : i32
    return %arg0, %c0_i32 : i32, i32
  }
  func.func @transform_4(%arg0: i32) -> (i32, i32) {
    %c0_i32 = arith.constant 0 : i32
    %c0_i32_0 = arith.constant 0 : i32
    return %arg0, %c0_i32 : i32, i32
  }
  func.func @transform_5(%arg0: i32) -> (i32, i32) {
    %c0_i32 = arith.constant 0 : i32
    %c0_i32_0 = arith.constant 0 : i32
    %c0_i32_1 = arith.constant 0 : i32
    return %c0_i32, %c0_i32_0 : i32, i32
  }
  func.func @transform_6(%arg0: i32) -> (i32, i32) {
    %c0_i32 = arith.constant 0 : i32
    %c0_i32_0 = arith.constant 0 : i32
    %c0_i32_1 = arith.constant 0 : i32
    return %c0_i32, %c0_i32_0 : i32, i32
  }
  func.func @transform_7(%arg0: i32) -> (i32, i32) {
    %c0_i32 = arith.constant 0 : i32
    %c0_i32_0 = arith.constant 0 : i32
    %c0_i32_1 = arith.constant 0 : i32
    return %c0_i32, %c0_i32_0 : i32, i32
  }
  func.func @transform_8(%arg0: i32) -> (i32, i32) {
    %c0_i32 = arith.constant 0 : i32
    %c0_i32_0 = arith.constant 0 : i32
    %c0_i32_1 = arith.constant 0 : i32
    return %c0_i32, %c0_i32_0 : i32, i32
  }
  func.func @transform_9(%arg0: i32) -> (i32, i32) {
    %c0_i32 = arith.constant 0 : i32
    %c0_i32_0 = arith.constant 0 : i32
    %c0_i32_1 = arith.constant 0 : i32
    return %c0_i32, %c0_i32_0 : i32, i32
  }
  func.func @transform_10(%arg0: i32) -> (i32, i32) {
    %c0_i32 = arith.constant 0 : i32
    %c0_i32_0 = arith.constant 0 : i32
    %c0_i32_1 = arith.constant 0 : i32
    return %c0_i32, %c0_i32_0 : i32, i32
  }
  func.func @transform_11(%arg0: i32) -> (i32, i32) {
    %c0_i32 = arith.constant 0 : i32
    %c0_i32_0 = arith.constant 0 : i32
    %c0_i32_1 = arith.constant 0 : i32
    return %c0_i32, %c0_i32_0 : i32, i32
  }
  func.func @transform_12(%arg0: i32) -> i32 {
    %c0_i32 = arith.constant 0 : i32
    return %arg0 : i32
  }
}

</mosaic_0001>

<sc_bundles>
// kernel: sc_gather.11.cloned.1.call-start
scs
__scs_entry_jumppad:
0x0: {  	(pc) =	sbr.rel $0x88, $3  }
0x1: {  	(tag) =	ssettag $0x0;
	lr =	simm.s32 $0x1  }
0x2: {  	[smem:$0x3F97] =	sst lr;
	_ =	strace $0xD0000000  }
0x3: {  	_ = 	snop  }
0x4: {  	_ = 	snop  }
0x5: {  	_ = 	snop  }
0x6: {  	_ = 	snop  }
0x7: {  	_ = 	snop  }
__scs_overlays_trampoline_lowered:
0x8: {  	[smem:$0x3FA6] =	sst s0  }
0x9: {  	[smem:$0x3FA7] =	sst s1  }
0xa: {  	[smem:$0x3FA8] =	sst s2  }
0xb: {  	[smem:$0x3FA9] =	sst s3  }
0xc: {  	[smem:$0x3FAA] =	sst s4  }
0xd: {  	[smem:$0x3FAB] =	sst s5  }
0xe: {  	[smem:$0x3FAC] =	sst s6  }
0xf: {  	[smem:$0x3FAD] =	sst s7  }
0x10: {  	[smem:$0x3FAE] =	sst s8  }
0x11: {  	[smem:$0x3FAF] =	sst s9;
	s0 =	simm.s32 @!p0 $0x0  }
0x12: {  	s1 =	sld [smem:$0x3F95];
	s0 =	simm.s32 @p0 $0x1  }
0x13: {  	[smem:$0x3FB0] =	sst s0;
	s0 =	simm.s32 @!p1 $0x0  }
0x14: {  	s2 =	sld [smem:$0x3F94];
	s0 =	simm.s32 @p1 $0x1  }
0x15: {  	[smem:$0x3FB1] =	sst s0;
	s0 =	simm.s32 @!p2 $0x0  }
0x16: {  	s3 =	sld [smem:$0x3FDB];
	s0 =	simm.s32 @p2 $0x1  }
0x17: {  	s4 =	simm.s32 $0x1BF5;
	[smem:$0x3FB3] =	sst s0  }
0x18: {  	s0 =	sld [smem:$0x3F96];
	_ =	swait.ge [sflag:s4], $0x0  }
0x19: {  	s7 =	sld [smem:$0x3F97]  }
0x1a: {  	s8 =	sadd.s32 $0xFFFFE003, lr  }
0x1b: {  	s9 =	sadd.s32 $0xFFFFFEF7, lr;
	s5 =	simm.s32 $0xFFFFFFFF;
	p2 =	slt.u32 s8, $0xFFFFF086  }
0x1c: {  	p1 =	slt.u32 s9, $0xF7A;
	s5 =	simm.s32 @!p2 $0x0  }
0x1d: {  	s5 =	simm.s32 @p1 $0x1;
	p0 =	seq.s32 s7, s2  }
0x1e: {  	s7 =	smul.u32 @!p0 $0xF7A, s2;
	p2 =	seq.s32 @!p0 s5, $0x0  }
0x1f: {  	s9 =	smul.u32 $0xF7A, s1;
	s8 =	simm.s32 @!p0 $0x1BF5;
	p2 =	por !p2, p0  }
0x20: {  	[sflag:s8] =	ssyncset.s32 @!p0 $0xFFFFF086;
	s6 =	sadd.s32 @!p0 s3, s7;
	s7 =	simm.s32 @!p0 $0x108  }
0x21: {  	s3 =	sadd.s32 s3, s9;
	s6 =	sadd.s32 @!p0 $0x88, s6;
	s7 =	simm.s32 @p2 $0x1082  }
0x22: {  	[simem:s7], [sflag:s8] =	dma.local @!p0 [hbm:s6], $0xF7A  }
0x23: {  	s9 =	sor.u32 $0xD0000000, s2;
	s6 =	simm.s32 $0x108;
	_ =	swait.ge @!p0 [sflag:s8], $0x0  }
0x24: {  	s3 =	sadd.s32 $0x88, s3;
	s6 =	simm.s32 @!p1 $0x1082;
	[sflag:s4] =	ssyncset.s32 $0xFFFFF086  }
0x25: {  	[simem:s6], [sflag:s4] =	dma.local [hbm:s3], $0xF7A  }
0x26: {  	[smem:$0x3F97] =	sst s1;
	(tag) =	ssettag s2;
	_ =	strace s9  }
0x27: {  	s1 =	sld [smem:$0x3FA7]  }
0x28: {  	s2 =	sld [smem:$0x3FA8]  }
0x29: {  	s4 =	sld [smem:$0x3FAA]  }
0x2a: {  	p0 =	seq.s32 s5, $0x0;
	s5 =	sld [smem:$0x3FAB]  }
0x2b: {  	s6 =	sld [smem:$0x3FAC]  }
0x2c: {  	s7 =	sld [smem:$0x3FAD]  }
0x2d: {  	s3 =	simm.s32 $0x108;
	s8 =	sld [smem:$0x3FAE]  }
0x2e: {  	s3 =	simm.s32 @!p0 $0x1082;
	s9 =	sld [smem:$0x3FAF]  }
0x2f: {  	lr =	sadd.s32 s0, s3;
	s0 =	sld [smem:$0x3FA6]  }
0x30: {  	s3 =	sld [smem:$0x3FA9]  }
0x31: {  	[smem:$0x3FB2] =	sst s10  }
0x32: {  	s10 =	sld [smem:$0x3FB0];
	_ =	sdelay $0x3  }
0x33: {  	p0 =	seq.s32 s10, $0x1;
	s10 =	sld [smem:$0x3FB2];
	_ =	sdelay $0x3  }
0x34: {  	[smem:$0x3FB2] =	sst s10  }
0x35: {  	s10 =	sld [smem:$0x3FB1];
	_ =	sdelay $0x3  }
0x36: {  	p1 =	seq.s32 s10, $0x1;
	s10 =	sld [smem:$0x3FB2];
	_ =	sdelay $0x3  }
0x37: {  	[smem:$0x3FB2] =	sst s10  }
0x38: {  	s10 =	sld [smem:$0x3FB3]  }
0x39: {  	_ = 	snop;
	(pc) =	sbr.ind lr, $3  }
0x3a: {  	_ = 	snop  }
0x3b: {  	_ = 	snop  }
0x3c: {  	p2 =	seq.s32 s10, $0x1;
	s10 =	sld [smem:$0x3FB2]  }
0x3d: {  	_ =	shalt  }
0x3e: {  	_ =	shalt  }
0x3f: {  	_ =	shalt  }
0x40: {  	_ =	shalt  }
0x41: {  	_ =	shalt  }
0x42: {  	_ =	shalt  }
0x43: {  	_ =	shalt  }
0x44: {  	_ =	shalt  }
0x45: {  	_ =	shalt  }
0x46: {  	_ =	shalt  }
0x47: {  	_ =	shalt  }
0x48: {  	_ =	shalt  }
0x49: {  	_ =	shalt  }
0x4a: {  	_ =	shalt  }
0x4b: {  	_ =	shalt  }
0x4c: {  	_ =	shalt  }
0x4d: {  	_ =	shalt  }
0x4e: {  	_ =	shalt  }
0x4f: {  	_ =	shalt  }
0x50: {  	_ =	shalt  }
0x51: {  	_ =	shalt  }
0x52: {  	_ =	shalt  }
0x53: {  	_ =	shalt  }
0x54: {  	_ =	shalt  }
0x55: {  	_ =	shalt  }
0x56: {  	_ =	shalt  }
0x57: {  	_ =	shalt  }
0x58: {  	_ =	shalt  }
0x59: {  	_ =	shalt  }
0x5a: {  	_ =	shalt  }
0x5b: {  	_ =	shalt  }
0x5c: {  	_ =	shalt  }
0x5d: {  	_ =	shalt  }
0x5e: {  	_ =	shalt  }
0x5f: {  	_ =	shalt  }
0x60: {  	_ =	shalt  }
0x61: {  	_ =	shalt  }
0x62: {  	_ =	shalt  }
0x63: {  	_ =	shalt  }
0x64: {  	_ =	shalt  }
0x65: {  	_ =	shalt  }
0x66: {  	_ =	shalt  }
0x67: {  	_ =	shalt  }
0x68: {  	_ =	shalt  }
0x69: {  	_ =	shalt  }
0x6a: {  	_ =	shalt  }
0x6b: {  	_ =	shalt  }
0x6c: {  	_ =	shalt  }
0x6d: {  	_ =	shalt  }
0x6e: {  	_ =	shalt  }
0x6f: {  	_ =	shalt  }
0x70: {  	_ =	shalt  }
0x71: {  	_ =	shalt  }
0x72: {  	_ =	shalt  }
0x73: {  	_ =	shalt  }
0x74: {  	_ =	shalt  }
0x75: {  	_ =	shalt  }
0x76: {  	_ =	shalt  }
0x77: {  	_ =	shalt  }
0x78: {  	_ =	shalt  }
0x79: {  	_ =	shalt  }
0x7a: {  	_ =	shalt  }
0x7b: {  	_ =	shalt  }
0x7c: {  	_ =	shalt  }
0x7d: {  	_ =	shalt  }
0x7e: {  	_ =	shalt  }
0x7f: {  	_ =	shalt  }
0x80: {  	_ =	shalt  }
0x81: {  	_ =	shalt  }
0x82: {  	_ =	shalt  }
0x83: {  	_ =	shalt  }
0x84: {  	_ =	shalt  }
0x85: {  	_ =	shalt  }
0x86: {  	_ =	shalt  }
0x87: {  	_ =	shalt  }
.Lfunc_end0:
.L_simem_size_0:
called_computation.3_lowered:
.L_overlay_start_0:
0x88: {  	s2 =	sld [smem:$0x3FD9]  }
0x89: {  	s3 =	sld [smem:$0x3FFE];
	_ =	sdelay $0x1  }
0x8a: {  	s1 =	srdreg.scid  }
0x8b: {  	s0 =	sand.u32 $0x1, s1  }
0x8c: {  	s17 =	sshll.u32 s0, $0xA;
	s2 =	sadd.s32 s3, s2  }
0x8d: {  	s2 =	sadd.s32 s2, s17  }
0x8e: {  	[smem:$0x3FBE] =	sst s2  }
0x8f: {  	_ = 	snop  }
0x90: {  	(tm) =	ssettm $0x1  }
0x91: {  	s18 =	sld [smem:$0x3FFB];
	_ =	sdelay $0x3  }
0x92: {  	_ =	strace s18  }
0x93: {  	s2 =	sld [smem:$0x3FFC];
	_ =	sdelay $0x3  }
0x94: {  	_ =	strace s2  }
0x95: {  	s2 =	sld [smem:$0x3FFD];
	_ =	sdelay $0x3  }
0x96: {  	_ =	strace s2  }
0x97: {  	_ =	strace $0x8FFFFFFF  }
0x98: {  	s19 =	sld [smem:$0x3FDB];
	_ =	sdelay $0x1  }
0x99: {  	s20 =	simm.s32 $_scs_section_size  }
0x9a: {  	s4 =	simm.s32 $_size__tile_overlayer_lowered;
	s5 =	simm.s32 $_tile_overlayer_lowered  }
0x9b: {  	s6 =	simm.s32 $0x1BFF;
	s21 =	sshll.u32 s5, $0x1;
	s3 =	sadd.s32 s20, s19  }
0x9c: {  	s22 =	simm.s32 $0x0;
	s4 =	sshll.u32 s4, $0x1;
	s5 =	sadd.s32 s21, s3  }
0x9d: {  	[timem:s22], [sflag:s6] =	dma.local [hbm:s5], s4  }
0x9e: {  	_ =	swait.ge [sflag:s6], s4  }
0x9f: {  	s4 =	ssub.s32 $0x0, s4;
	[sflag:s6] =	ssyncset.done $0x0  }
0xa0: {  	[sflag:s6] =	ssyncadd.s32 s4;
	_ =	sdelay $0x1  }
0xa1: {  	s23 =	simm.s32 $0x1B8B  }
0xa2: {  	_ =	swait.ge [sflag:s23], $0x1  }
0xa3: {  	[sflag:s23] =	ssyncset.done $0x0  }
0xa4: {  	[sflag:s23] =	ssyncadd.s32 $0xFFFFFFFF  }
0xa5: {  	s4 =	sld [smem:$0x0]  }
0xa6: {  	s5 =	sand.u32 $0xFFFFFFFE, s1  }
0xa7: {  	p0 =	sne.s32 s1, s5  }
0xa8: {  	s5 =	sshll.u32 @p0 s5, $0xE  }
0xa9: {  	s5 =	sadd.s32 @p0 $0x11B8D, s5;
	s6 =	sshll.u32 @p0 s4, $0x11  }
0xaa: {  	s5 =	sor.u32 @p0 s6, s5  }
0xab: {  	[sflag:s5] =	ssyncadd.remote.s32 @p0 $0x1;
	_ =	sdelay $0x1  }
0xac: {  	s5 =	simm.s32 @p0 $0x1B8D  }
0xad: {  	_ =	swait.eq @p0 [sflag:s5], $0x1  }
0xae: {  	[sflag:s5] =	ssyncadd.s32 @p0 $0xFFFFFFFF  }
0xaf: {  	s6 =	sshll.u32 @!p0 s1, $0xE  }
0xb0: {  	s6 =	sor.u32 @!p0 $0x4000, s6;
	s5 =	simm.s32 @!p0 $0x1B8D  }
0xb1: {  	s4 =	sshll.u32 @!p0 s4, $0x11;
	s6 =	sadd.s32 @!p0 $0x11B8D, s6;
	_ =	swait.eq @!p0 [sflag:s5], $0x1  }
0xb2: {  	s4 =	sor.u32 @!p0 s4, s6;
	[sflag:s5] =	ssyncadd.s32 @!p0 $0xFFFFFFFF  }
0xb3: {  	s25 =	simm.s32 $0x1B8E;
	s24 =	sld [smem:$0x3FFE];
	[sflag:s4] =	ssyncadd.remote.s32 @!p0 $0x1  }
0xb4: {  	s26 =	simm.s32 $execute0_lowered;
	[smem:$0x3FD2] =	sst s25  }
0xb5: {  	s5 =	sshll.u32 s26, $0x1;
	_ =	strace $0x8000004F;
	[dreg:$0x1] =	wrdreg $0xFFFFFFFF  }
0xb6: {  	s28 =	simm.s32 $_size_execute0_lowered;
	s3 =	sadd.s32 s3, s5;
	[dreg:$0x0] =	wrdreg $0x0  }
0xb7: {  	s5 =	sshll.u32 s28, $0x1;
	[dreg:$0x2] =	wrdreg s3  }
0xb8: {  	[dreg:$0x3] =	wrdreg s5  }
0xb9: {  	[dreg:$0x4] =	wrdreg $0xC0  }
0xba: {  	_ =	task [dreg:s22], $0x5FFFF  }
0xbb: {  	[dreg:$0x1] =	wrdreg $0xFFFFFFFF  }
0xbc: {  	[dreg:$0x0] =	wrdreg $0x60  }
0xbd: {  	[dreg:$0x2] =	wrdreg s24  }
0xbe: {  	[dreg:$0x3] =	wrdreg $0xC  }
0xbf: {  	_ =	task.clear_ibuf [dreg:s22], $0x4FFFF;
	_ =	strace $0x9000004F  }
0xc0: {  	s29 =	simm.s32 $0xC;
	_ =	strace $0x80000051  }
0xc1: {  	_ =	swait.ge [sflag:s29], $0x1  }
0xc2: {  	[sflag:s29] =	ssyncadd.s32 $0xFFFFFFFF  }
0xc3: {  	_ =	strace $0x90000051  }
0xc4: {  	_ =	sfence  }
0xc5: {  	s30 =	sld [smem:$0x0];
	_ =	sdelay $0x2  }
0xc6: {  	s31 =	sshll.u32 s1, $0xD;
	s1 =	sshrl.u32 s1, $0x2  }
0xc7: {  	s4 =	sand.u32 $0x4000, s31;
	s1 =	sadd.s32 s1, s30  }
0xc8: {  	s0 =	sor.u32 s4, s0;
	s1 =	sshll.u32 s1, $0x11  }
0xc9: {  	s0 =	sor.u32 s1, s0  }
0xca: {  	s0 =	sadd.s32 $0x8F2B, s0  }
0xcb: {  	[sflag:s0] =	ssyncadd.remote.s32 $0x1  }
0xcc: {  	_ =	sfence.sel $0xFFFF  }
0xcd: {  	[dreg:$0x0] =	wrdreg $0xFFFFFFFF;
	(pc) =	sbr.abs _section_cstart, $3  }
0xce: {  	[dreg:$0x1] =	wrdreg $0xFFFFFFFF  }
0xcf: {  	_ =	task.clear_ibuf [dreg:s22], $0x2FFFF;
	_ =	strace $0x9FFFFFFF  }
0xd0: {  	(tm) =	ssettm $0x7FFFFFFF  }
0xd1: {  	_ =	shalt  }
tec
execute0_lowered:
.L_overlay_start_1:
0x0: {  	(tag) =	ssettag $0x1  }
0x1: {  	s1 =	srdreg.scid  }
0x2: {  	s0 =	stileid.u32;
	s6 =	sand.u32 $0x1, s1  }
0x3: {  	s8 =	rddreg [dreg:$0x0];
	s30 =	sshll.u32 s0, $0xD;
	s2 =	sshll.u32 s6, $0xC  }
0x4: {  	s7 =	simm.s32 $0x1;
	s1 =	rddreg [dreg:$0x1];
	s9 =	sor.u32 s2, s30  }
0x5: {  	s5 =	sadd.s32 $0xD5200, s8;
	s2 =	simm.s32 $0x0;
	s3 =	sshrl.u32 s9, $0x3  }
0x6: {  	s10 =	ssub.s32 $0x2, s6;
	[smem:$0x7FF] =	sst s2;
	s3 =	sadd.s32 s3, s8  }
0x7: {  	_ =	strace $0x80000050;
	s4 =	sadd.s32 $0x10F200, s3;
	s3 =	simm.s32 $0x2  }
0x8: {  	[tilespmem:s2], [sflag:$0x2] =	stream.linear.gather [hbm4b:s4+s2], $0x1000, $0x38;
	[tilespmem:$0x11000] =	vst v63  }
0x9: {  	s6 =	simm.s32 $0x1000;
	s11 =	sshrl.u32 s10, $0x1;
	_ =	swait.ge [sflag:s3], $0x1000  }
0xa: {  	s9 =	sshll.u32 s9, $0x1;
	s31 =	ssub.s32 s10, s11;
	[sflag:s3] =	ssyncset.done $0x0  }
0xb: {  	s8 =	sadd.s32 s9, s8;
	s9 =	smax.u32 s31, $0x1;
	[sflag:s3] =	ssyncadd.s32 $0xFFFFF000  }
0xc: {  	[tilespmem:s6], [sflag:$0x1] =	stream.indirect.gather [hbm4b:s5+s6], $0x10, s2, s6, $0xb8;
	[tilespmem:$0x11000] =	vst v63  }
0xd: {  	p0 =	sne.s32 s9, $0x1;
	_ =	swait.ge [sflag:s7], $0x10000  }
.Ltmp0:
0xe: {  	[sflag:s7] =	ssyncset.done $0x0;
	(pc) =	sbr.rel @!p0 .LBB2_2-.Ltmp0, $4  }
0xf: {  	s8 =	sadd.s32 $0x307200, s8;
	[sflag:s7] =	ssyncadd.s32 $0xFFFF0000  }
0x10: {  	[hbm4b:s8+s2] =	stream.linear.scatter [tilespmem:s6], [sflag:$0x2], $0x10000, $0x38;
	[tilespmem:$0x11000] =	vst v63  }
0x11: {  	_ =	swait.ge [sflag:s3], $0x10000  }
0x12: {  	s9 =	sadd.s32 $0xFFFFFFFF, s9;
	[sflag:s3] =	ssyncset.done $0x0  }
.LBB2_1:
0x13: {  	p0 =	sne.s32 s9, $0x1;
	s9 =	sadd.s32 $0xFFFFFFFF, s9;
	[sflag:s3] =	ssyncadd.s32 $0xFFFF0000  }
0x14: {  	[tilespmem:s2], [sflag:$0x2] =	stream.linear.gather [hbm4b:s4+s2], $0x1000, $0x38;
	[tilespmem:$0x11000] =	vst v63  }
0x15: {  	_ =	swait.ge [sflag:s3], $0x1000  }
0x16: {  	[sflag:s3] =	ssyncset.done $0x0  }
0x17: {  	[sflag:s3] =	ssyncadd.s32 $0xFFFFF000  }
0x18: {  	[tilespmem:s6], [sflag:$0x1] =	stream.indirect.gather [hbm4b:s5+s6], $0x10, s2, s6, $0xb8;
	[tilespmem:$0x11000] =	vst v63  }
0x19: {  	_ =	swait.ge [sflag:s7], $0x10000  }
.Ltmp1:
0x1a: {  	[sflag:s7] =	ssyncset.done $0x0;
	(pc) =	sbr.rel @p0 .LBB2_1-.Ltmp1, $4  }
0x1b: {  	[sflag:s7] =	ssyncadd.s32 $0xFFFF0000  }
0x1c: {  	[hbm4b:s8+s2] =	stream.linear.scatter [tilespmem:s6], [sflag:$0x2], $0x10000, $0x38;
	[tilespmem:$0x11000] =	vst v63  }
0x1d: {  	_ =	swait.ge [sflag:s3], $0x10000  }
0x1e: {  	[sflag:s3] =	ssyncset.done $0x0  }
.LBB2_2:
0x1f: {  	[sflag:s3] =	ssyncadd.s32 $0xFFFF0000  }
0x20: {  	_ =	sfence.sel $0x180000  }
0x21: {  	[bflag:$0x0] =	sbarrier.arrive $0xFFFF  }
0x22: {  	p0 =	sne.s32 s0, $0x0;
	_ =	strace $0x90000050  }
0x23: {  	s0 =	sadd.s32 @!p0 $0x100000, s1;
	[bflag:$0x2] =	sbarrier.arrive $0xFFFF  }
0x24: {  	[sflag:s0] =	ssyncadd.tile.s32 @!p0 $0x1;
	_ =	shalt  }
.Lfunc_end2:
_tile_overlayer_lowered:
.L_overlay_start_2:
0x25: {  	(tag) =	ssettag $0x2  }
0x26: {  	s0 =	rddreg [dreg:$0x0];
	s2 =	stileid.u32  }
0x27: {  	s1 =	rddreg [dreg:$0x1];
	p0 =	sne.s32 s2, $0x0  }
0x28: {  	s3 =	rddreg [dreg:$0x2];
	[bflag:$0x3] =	sbarrier.arrive $0xFFFF;
	s2 =	simm.s32 @!p0 $0x1C02  }
0x29: {  	[timem:s3], [sflag:s2] =	dma.local @!p0 [hbm:s0], s1  }
0x2a: {  	s0 =	simm.s32 @!p0 $0x2  }
0x2b: {  	_ =	swait.ge @!p0 [sflag:s0], s1  }
0x2c: {  	s1 =	ssub.s32 @!p0 $0x0, s1;
	[sflag:s0] =	ssyncset.done @!p0 $0x0  }
0x2d: {  	[sflag:s0] =	ssyncadd.s32 @!p0 s1  }
0x2e: {  	[bflag:$0x3] =	sbarrier.arrive $0xFFFF  }
0x2f: {  	_ =	shalt  }

// kernel: sc_gather.5.cloned.1.call-start
scs
__scs_entry_jumppad:
0x0: {  	(pc) =	sbr.rel $0x88, $3  }
0x1: {  	(tag) =	ssettag $0x0;
	lr =	simm.s32 $0x1  }
0x2: {  	[smem:$0x3F97] =	sst lr;
	_ =	strace $0xD0000000  }
0x3: {  	_ = 	snop  }
0x4: {  	_ = 	snop  }
0x5: {  	_ = 	snop  }
0x6: {  	_ = 	snop  }
0x7: {  	_ = 	snop  }
__scs_overlays_trampoline_lowered:
0x8: {  	[smem:$0x3FA6] =	sst s0  }
0x9: {  	[smem:$0x3FA7] =	sst s1  }
0xa: {  	[smem:$0x3FA8] =	sst s2  }
0xb: {  	[smem:$0x3FA9] =	sst s3  }
0xc: {  	[smem:$0x3FAA] =	sst s4  }
0xd: {  	[smem:$0x3FAB] =	sst s5  }
0xe: {  	[smem:$0x3FAC] =	sst s6  }
0xf: {  	[smem:$0x3FAD] =	sst s7  }
0x10: {  	[smem:$0x3FAE] =	sst s8  }
0x11: {  	[smem:$0x3FAF] =	sst s9;
	s0 =	simm.s32 @!p0 $0x0  }
0x12: {  	s1 =	sld [smem:$0x3F95];
	s0 =	simm.s32 @p0 $0x1  }
0x13: {  	[smem:$0x3FB0] =	sst s0;
	s0 =	simm.s32 @!p1 $0x0  }
0x14: {  	s2 =	sld [smem:$0x3F94];
	s0 =	simm.s32 @p1 $0x1  }
0x15: {  	[smem:$0x3FB1] =	sst s0;
	s0 =	simm.s32 @!p2 $0x0  }
0x16: {  	s3 =	sld [smem:$0x3FDB];
	s0 =	simm.s32 @p2 $0x1  }
0x17: {  	s4 =	simm.s32 $0x1BF5;
	[smem:$0x3FB3] =	sst s0  }
0x18: {  	s0 =	sld [smem:$0x3F96];
	_ =	swait.ge [sflag:s4], $0x0  }
0x19: {  	s7 =	sld [smem:$0x3F97]  }
0x1a: {  	s8 =	sadd.s32 $0xFFFFE003, lr  }
0x1b: {  	s9 =	sadd.s32 $0xFFFFFEF7, lr;
	s5 =	simm.s32 $0xFFFFFFFF;
	p2 =	slt.u32 s8, $0xFFFFF086  }
0x1c: {  	p1 =	slt.u32 s9, $0xF7A;
	s5 =	simm.s32 @!p2 $0x0  }
0x1d: {  	s5 =	simm.s32 @p1 $0x1;
	p0 =	seq.s32 s7, s2  }
0x1e: {  	s7 =	smul.u32 @!p0 $0xF7A, s2;
	p2 =	seq.s32 @!p0 s5, $0x0  }
0x1f: {  	s9 =	smul.u32 $0xF7A, s1;
	s8 =	simm.s32 @!p0 $0x1BF5;
	p2 =	por !p2, p0  }
0x20: {  	[sflag:s8] =	ssyncset.s32 @!p0 $0xFFFFF086;
	s6 =	sadd.s32 @!p0 s3, s7;
	s7 =	simm.s32 @!p0 $0x108  }
0x21: {  	s3 =	sadd.s32 s3, s9;
	s6 =	sadd.s32 @!p0 $0x88, s6;
	s7 =	simm.s32 @p2 $0x1082  }
0x22: {  	[simem:s7], [sflag:s8] =	dma.local @!p0 [hbm:s6], $0xF7A  }
0x23: {  	s9 =	sor.u32 $0xD0000000, s2;
	s6 =	simm.s32 $0x108;
	_ =	swait.ge @!p0 [sflag:s8], $0x0  }
0x24: {  	s3 =	sadd.s32 $0x88, s3;
	s6 =	simm.s32 @!p1 $0x1082;
	[sflag:s4] =	ssyncset.s32 $0xFFFFF086  }
0x25: {  	[simem:s6], [sflag:s4] =	dma.local [hbm:s3], $0xF7A  }
0x26: {  	[smem:$0x3F97] =	sst s1;
	(tag) =	ssettag s2;
	_ =	strace s9  }
0x27: {  	s1 =	sld [smem:$0x3FA7]  }
0x28: {  	s2 =	sld [smem:$0x3FA8]  }
0x29: {  	s4 =	sld [smem:$0x3FAA]  }
0x2a: {  	p0 =	seq.s32 s5, $0x0;
	s5 =	sld [smem:$0x3FAB]  }
0x2b: {  	s6 =	sld [smem:$0x3FAC]  }
0x2c: {  	s7 =	sld [smem:$0x3FAD]  }
0x2d: {  	s3 =	simm.s32 $0x108;
	s8 =	sld [smem:$0x3FAE]  }
0x2e: {  	s3 =	simm.s32 @!p0 $0x1082;
	s9 =	sld [smem:$0x3FAF]  }
0x2f: {  	lr =	sadd.s32 s0, s3;
	s0 =	sld [smem:$0x3FA6]  }
0x30: {  	s3 =	sld [smem:$0x3FA9]  }
0x31: {  	[smem:$0x3FB2] =	sst s10  }
0x32: {  	s10 =	sld [smem:$0x3FB0];
	_ =	sdelay $0x3  }
0x33: {  	p0 =	seq.s32 s10, $0x1;
	s10 =	sld [smem:$0x3FB2];
	_ =	sdelay $0x3  }
0x34: {  	[smem:$0x3FB2] =	sst s10  }
0x35: {  	s10 =	sld [smem:$0x3FB1];
	_ =	sdelay $0x3  }
0x36: {  	p1 =	seq.s32 s10, $0x1;
	s10 =	sld [smem:$0x3FB2];
	_ =	sdelay $0x3  }
0x37: {  	[smem:$0x3FB2] =	sst s10  }
0x38: {  	s10 =	sld [smem:$0x3FB3]  }
0x39: {  	_ = 	snop;
	(pc) =	sbr.ind lr, $3  }
0x3a: {  	_ = 	snop  }
0x3b: {  	_ = 	snop  }
0x3c: {  	p2 =	seq.s32 s10, $0x1;
	s10 =	sld [smem:$0x3FB2]  }
0x3d: {  	_ =	shalt  }
0x3e: {  	_ =	shalt  }
0x3f: {  	_ =	shalt  }
0x40: {  	_ =	shalt  }
0x41: {  	_ =	shalt  }
0x42: {  	_ =	shalt  }
0x43: {  	_ =	shalt  }
0x44: {  	_ =	shalt  }
0x45: {  	_ =	shalt  }
0x46: {  	_ =	shalt  }
0x47: {  	_ =	shalt  }
0x48: {  	_ =	shalt  }
0x49: {  	_ =	shalt  }
0x4a: {  	_ =	shalt  }
0x4b: {  	_ =	shalt  }
0x4c: {  	_ =	shalt  }
0x4d: {  	_ =	shalt  }
0x4e: {  	_ =	shalt  }
0x4f: {  	_ =	shalt  }
0x50: {  	_ =	shalt  }
0x51: {  	_ =	shalt  }
0x52: {  	_ =	shalt  }
0x53: {  	_ =	shalt  }
0x54: {  	_ =	shalt  }
0x55: {  	_ =	shalt  }
0x56: {  	_ =	shalt  }
0x57: {  	_ =	shalt  }
0x58: {  	_ =	shalt  }
0x59: {  	_ =	shalt  }
0x5a: {  	_ =	shalt  }
0x5b: {  	_ =	shalt  }
0x5c: {  	_ =	shalt  }
0x5d: {  	_ =	shalt  }
0x5e: {  	_ =	shalt  }
0x5f: {  	_ =	shalt  }
0x60: {  	_ =	shalt  }
0x61: {  	_ =	shalt  }
0x62: {  	_ =	shalt  }
0x63: {  	_ =	shalt  }
0x64: {  	_ =	shalt  }
0x65: {  	_ =	shalt  }
0x66: {  	_ =	shalt  }
0x67: {  	_ =	shalt  }
0x68: {  	_ =	shalt  }
0x69: {  	_ =	shalt  }
0x6a: {  	_ =	shalt  }
0x6b: {  	_ =	shalt  }
0x6c: {  	_ =	shalt  }
0x6d: {  	_ =	shalt  }
0x6e: {  	_ =	shalt  }
0x6f: {  	_ =	shalt  }
0x70: {  	_ =	shalt  }
0x71: {  	_ =	shalt  }
0x72: {  	_ =	shalt  }
0x73: {  	_ =	shalt  }
0x74: {  	_ =	shalt  }
0x75: {  	_ =	shalt  }
0x76: {  	_ =	shalt  }
0x77: {  	_ =	shalt  }
0x78: {  	_ =	shalt  }
0x79: {  	_ =	shalt  }
0x7a: {  	_ =	shalt  }
0x7b: {  	_ =	shalt  }
0x7c: {  	_ =	shalt  }
0x7d: {  	_ =	shalt  }
0x7e: {  	_ =	shalt  }
0x7f: {  	_ =	shalt  }
0x80: {  	_ =	shalt  }
0x81: {  	_ =	shalt  }
0x82: {  	_ =	shalt  }
0x83: {  	_ =	shalt  }
0x84: {  	_ =	shalt  }
0x85: {  	_ =	shalt  }
0x86: {  	_ =	shalt  }
0x87: {  	_ =	shalt  }
.Lfunc_end0:
.L_simem_size_0:
called_computation.1_lowered:
.L_overlay_start_0:
0x88: {  	s2 =	sld [smem:$0x3FD9]  }
0x89: {  	s3 =	sld [smem:$0x3FFE];
	_ =	sdelay $0x1  }
0x8a: {  	s1 =	srdreg.scid  }
0x8b: {  	s0 =	sand.u32 $0x1, s1  }
0x8c: {  	s17 =	sshll.u32 s0, $0xA;
	s2 =	sadd.s32 s3, s2  }
0x8d: {  	s2 =	sadd.s32 s2, s17  }
0x8e: {  	[smem:$0x3FBE] =	sst s2  }
0x8f: {  	_ = 	snop  }
0x90: {  	(tm) =	ssettm $0x1  }
0x91: {  	s18 =	sld [smem:$0x3FFB];
	_ =	sdelay $0x3  }
0x92: {  	_ =	strace s18  }
0x93: {  	s2 =	sld [smem:$0x3FFC];
	_ =	sdelay $0x3  }
0x94: {  	_ =	strace s2  }
0x95: {  	s2 =	sld [smem:$0x3FFD];
	_ =	sdelay $0x3  }
0x96: {  	_ =	strace s2  }
0x97: {  	_ =	strace $0x8FFFFFFF  }
0x98: {  	s19 =	sld [smem:$0x3FDB];
	_ =	sdelay $0x1  }
0x99: {  	s20 =	simm.s32 $_scs_section_size  }
0x9a: {  	s4 =	simm.s32 $_size__tile_overlayer_lowered;
	s5 =	simm.s32 $_tile_overlayer_lowered  }
0x9b: {  	s6 =	simm.s32 $0x1BFF;
	s21 =	sshll.u32 s5, $0x1;
	s3 =	sadd.s32 s20, s19  }
0x9c: {  	s22 =	simm.s32 $0x0;
	s4 =	sshll.u32 s4, $0x1;
	s5 =	sadd.s32 s21, s3  }
0x9d: {  	[timem:s22], [sflag:s6] =	dma.local [hbm:s5], s4  }
0x9e: {  	_ =	swait.ge [sflag:s6], s4  }
0x9f: {  	s4 =	ssub.s32 $0x0, s4;
	[sflag:s6] =	ssyncset.done $0x0  }
0xa0: {  	[sflag:s6] =	ssyncadd.s32 s4;
	_ =	sdelay $0x1  }
0xa1: {  	s23 =	simm.s32 $0x1B8B  }
0xa2: {  	_ =	swait.ge [sflag:s23], $0x1  }
0xa3: {  	[sflag:s23] =	ssyncset.done $0x0  }
0xa4: {  	[sflag:s23] =	ssyncadd.s32 $0xFFFFFFFF  }
0xa5: {  	s4 =	sld [smem:$0x0]  }
0xa6: {  	s5 =	sand.u32 $0xFFFFFFFE, s1  }
0xa7: {  	p0 =	sne.s32 s1, s5  }
0xa8: {  	s5 =	sshll.u32 @p0 s5, $0xE  }
0xa9: {  	s5 =	sadd.s32 @p0 $0x11B8D, s5;
	s6 =	sshll.u32 @p0 s4, $0x11  }
0xaa: {  	s5 =	sor.u32 @p0 s6, s5  }
0xab: {  	[sflag:s5] =	ssyncadd.remote.s32 @p0 $0x1;
	_ =	sdelay $0x1  }
0xac: {  	s5 =	simm.s32 @p0 $0x1B8D  }
0xad: {  	_ =	swait.eq @p0 [sflag:s5], $0x1  }
0xae: {  	[sflag:s5] =	ssyncadd.s32 @p0 $0xFFFFFFFF  }
0xaf: {  	s6 =	sshll.u32 @!p0 s1, $0xE  }
0xb0: {  	s6 =	sor.u32 @!p0 $0x4000, s6;
	s5 =	simm.s32 @!p0 $0x1B8D  }
0xb1: {  	s4 =	sshll.u32 @!p0 s4, $0x11;
	s6 =	sadd.s32 @!p0 $0x11B8D, s6;
	_ =	swait.eq @!p0 [sflag:s5], $0x1  }
0xb2: {  	s4 =	sor.u32 @!p0 s4, s6;
	[sflag:s5] =	ssyncadd.s32 @!p0 $0xFFFFFFFF  }
0xb3: {  	s25 =	simm.s32 $0x1B8E;
	s24 =	sld [smem:$0x3FFE];
	[sflag:s4] =	ssyncadd.remote.s32 @!p0 $0x1  }
0xb4: {  	s26 =	simm.s32 $execute0_lowered;
	[smem:$0x3FD2] =	sst s25  }
0xb5: {  	s5 =	sshll.u32 s26, $0x1;
	_ =	strace $0x80000049;
	[dreg:$0x1] =	wrdreg $0xFFFFFFFF  }
0xb6: {  	s28 =	simm.s32 $_size_execute0_lowered;
	s3 =	sadd.s32 s3, s5;
	[dreg:$0x0] =	wrdreg $0x0  }
0xb7: {  	s5 =	sshll.u32 s28, $0x1;
	[dreg:$0x2] =	wrdreg s3  }
0xb8: {  	[dreg:$0x3] =	wrdreg s5  }
0xb9: {  	[dreg:$0x4] =	wrdreg $0xC0  }
0xba: {  	_ =	task [dreg:s22], $0x5FFFF  }
0xbb: {  	[dreg:$0x1] =	wrdreg $0xFFFFFFFF  }
0xbc: {  	[dreg:$0x0] =	wrdreg $0x60  }
0xbd: {  	[dreg:$0x2] =	wrdreg s24  }
0xbe: {  	[dreg:$0x3] =	wrdreg $0xA  }
0xbf: {  	_ =	task.clear_ibuf [dreg:s22], $0x4FFFF;
	_ =	strace $0x90000049  }
0xc0: {  	s29 =	simm.s32 $0xA;
	_ =	strace $0x8000004B  }
0xc1: {  	_ =	swait.ge [sflag:s29], $0x1  }
0xc2: {  	[sflag:s29] =	ssyncadd.s32 $0xFFFFFFFF  }
0xc3: {  	_ =	strace $0x9000004B  }
0xc4: {  	_ =	sfence  }
0xc5: {  	s30 =	sld [smem:$0x0];
	_ =	sdelay $0x2  }
0xc6: {  	s31 =	sshll.u32 s1, $0xD;
	s1 =	sshrl.u32 s1, $0x2  }
0xc7: {  	s4 =	sand.u32 $0x4000, s31;
	s1 =	sadd.s32 s1, s30  }
0xc8: {  	s0 =	sor.u32 s4, s0;
	s1 =	sshll.u32 s1, $0x11  }
0xc9: {  	s0 =	sor.u32 s1, s0  }
0xca: {  	s0 =	sadd.s32 $0x8F2B, s0  }
0xcb: {  	[sflag:s0] =	ssyncadd.remote.s32 $0x1  }
0xcc: {  	_ =	sfence.sel $0xFFFF  }
0xcd: {  	[dreg:$0x0] =	wrdreg $0xFFFFFFFF;
	(pc) =	sbr.abs _section_cstart, $3  }
0xce: {  	[dreg:$0x1] =	wrdreg $0xFFFFFFFF  }
0xcf: {  	_ =	task.clear_ibuf [dreg:s22], $0x2FFFF;
	_ =	strace $0x9FFFFFFF  }
0xd0: {  	(tm) =	ssettm $0x7FFFFFFF  }
0xd1: {  	_ =	shalt  }
tec
execute0_lowered:
.L_overlay_start_1:
0x0: {  	(tag) =	ssettag $0x1  }
0x1: {  	s1 =	srdreg.scid  }
0x2: {  	s0 =	stileid.u32;
	s6 =	sand.u32 $0x1, s1  }
0x3: {  	s8 =	rddreg [dreg:$0x0];
	s30 =	sshll.u32 s0, $0xD;
	s2 =	sshll.u32 s6, $0xC  }
0x4: {  	s7 =	simm.s32 $0x1;
	s1 =	rddreg [dreg:$0x1];
	s9 =	sor.u32 s2, s30  }
0x5: {  	s5 =	sadd.s32 $0x153200, s8;
	s2 =	simm.s32 $0x0;
	s3 =	sshrl.u32 s9, $0x3  }
0x6: {  	s10 =	ssub.s32 $0x2, s6;
	[smem:$0x7FF] =	sst s2;
	s3 =	sadd.s32 s3, s8  }
0x7: {  	_ =	strace $0x8000004A;
	s4 =	sadd.s32 $0x107200, s3;
	s3 =	simm.s32 $0x2  }
0x8: {  	[tilespmem:s2], [sflag:$0x2] =	stream.linear.gather [hbm4b:s4+s2], $0x1000, $0x38;
	[tilespmem:$0x11000] =	vst v63  }
0x9: {  	s6 =	simm.s32 $0x1000;
	s11 =	sshrl.u32 s10, $0x1;
	_ =	swait.ge [sflag:s3], $0x1000  }
0xa: {  	s9 =	sshll.u32 s9, $0x1;
	s31 =	ssub.s32 s10, s11;
	[sflag:s3] =	ssyncset.done $0x0  }
0xb: {  	s8 =	sadd.s32 s9, s8;
	s9 =	smax.u32 s31, $0x1;
	[sflag:s3] =	ssyncadd.s32 $0xFFFFF000  }
0xc: {  	[tilespmem:s6], [sflag:$0x1] =	stream.indirect.gather [hbm4b:s5+s6], $0x10, s2, s6, $0xb8;
	[tilespmem:$0x11000] =	vst v63  }
0xd: {  	p0 =	sne.s32 s9, $0x1;
	_ =	swait.ge [sflag:s7], $0x10000  }
.Ltmp0:
0xe: {  	[sflag:s7] =	ssyncset.done $0x0;
	(pc) =	sbr.rel @!p0 .LBB2_2-.Ltmp0, $4  }
0xf: {  	s8 =	sadd.s32 $0x1EF200, s8;
	[sflag:s7] =	ssyncadd.s32 $0xFFFF0000  }
0x10: {  	[hbm4b:s8+s2] =	stream.linear.scatter [tilespmem:s6], [sflag:$0x2], $0x10000, $0x38;
	[tilespmem:$0x11000] =	vst v63  }
0x11: {  	_ =	swait.ge [sflag:s3], $0x10000  }
0x12: {  	s9 =	sadd.s32 $0xFFFFFFFF, s9;
	[sflag:s3] =	ssyncset.done $0x0  }
.LBB2_1:
0x13: {  	p0 =	sne.s32 s9, $0x1;
	s9 =	sadd.s32 $0xFFFFFFFF, s9;
	[sflag:s3] =	ssyncadd.s32 $0xFFFF0000  }
0x14: {  	[tilespmem:s2], [sflag:$0x2] =	stream.linear.gather [hbm4b:s4+s2], $0x1000, $0x38;
	[tilespmem:$0x11000] =	vst v63  }
0x15: {  	_ =	swait.ge [sflag:s3], $0x1000  }
0x16: {  	[sflag:s3] =	ssyncset.done $0x0  }
0x17: {  	[sflag:s3] =	ssyncadd.s32 $0xFFFFF000  }
0x18: {  	[tilespmem:s6], [sflag:$0x1] =	stream.indirect.gather [hbm4b:s5+s6], $0x10, s2, s6, $0xb8;
	[tilespmem:$0x11000] =	vst v63  }
0x19: {  	_ =	swait.ge [sflag:s7], $0x10000  }
.Ltmp1:
0x1a: {  	[sflag:s7] =	ssyncset.done $0x0;
	(pc) =	sbr.rel @p0 .LBB2_1-.Ltmp1, $4  }
0x1b: {  	[sflag:s7] =	ssyncadd.s32 $0xFFFF0000  }
0x1c: {  	[hbm4b:s8+s2] =	stream.linear.scatter [tilespmem:s6], [sflag:$0x2], $0x10000, $0x38;
	[tilespmem:$0x11000] =	vst v63  }
0x1d: {  	_ =	swait.ge [sflag:s3], $0x10000  }
0x1e: {  	[sflag:s3] =	ssyncset.done $0x0  }
.LBB2_2:
0x1f: {  	[sflag:s3] =	ssyncadd.s32 $0xFFFF0000  }
0x20: {  	_ =	sfence.sel $0x180000  }
0x21: {  	[bflag:$0x0] =	sbarrier.arrive $0xFFFF  }
0x22: {  	p0 =	sne.s32 s0, $0x0;
	_ =	strace $0x9000004A  }
0x23: {  	s0 =	sadd.s32 @!p0 $0x100000, s1;
	[bflag:$0x2] =	sbarrier.arrive $0xFFFF  }
0x24: {  	[sflag:s0] =	ssyncadd.tile.s32 @!p0 $0x1;
	_ =	shalt  }
.Lfunc_end2:
_tile_overlayer_lowered:
.L_overlay_start_2:
0x25: {  	(tag) =	ssettag $0x2  }
0x26: {  	s0 =	rddreg [dreg:$0x0];
	s2 =	stileid.u32  }
0x27: {  	s1 =	rddreg [dreg:$0x1];
	p0 =	sne.s32 s2, $0x0  }
0x28: {  	s3 =	rddreg [dreg:$0x2];
	[bflag:$0x3] =	sbarrier.arrive $0xFFFF;
	s2 =	simm.s32 @!p0 $0x1C02  }
0x29: {  	[timem:s3], [sflag:s2] =	dma.local @!p0 [hbm:s0], s1  }
0x2a: {  	s0 =	simm.s32 @!p0 $0x2  }
0x2b: {  	_ =	swait.ge @!p0 [sflag:s0], s1  }
0x2c: {  	s1 =	ssub.s32 @!p0 $0x0, s1;
	[sflag:s0] =	ssyncset.done @!p0 $0x0  }
0x2d: {  	[sflag:s0] =	ssyncadd.s32 @!p0 s1  }
0x2e: {  	[bflag:$0x3] =	sbarrier.arrive $0xFFFF  }
0x2f: {  	_ =	shalt  }

// kernel: sc_gather.8.cloned.1.call-start
scs
__scs_entry_jumppad:
0x0: {  	(pc) =	sbr.rel $0x88, $3  }
0x1: {  	(tag) =	ssettag $0x0;
	lr =	simm.s32 $0x1  }
0x2: {  	[smem:$0x3F97] =	sst lr;
	_ =	strace $0xD0000000  }
0x3: {  	_ = 	snop  }
0x4: {  	_ = 	snop  }
0x5: {  	_ = 	snop  }
0x6: {  	_ = 	snop  }
0x7: {  	_ = 	snop  }
__scs_overlays_trampoline_lowered:
0x8: {  	[smem:$0x3FA6] =	sst s0  }
0x9: {  	[smem:$0x3FA7] =	sst s1  }
0xa: {  	[smem:$0x3FA8] =	sst s2  }
0xb: {  	[smem:$0x3FA9] =	sst s3  }
0xc: {  	[smem:$0x3FAA] =	sst s4  }
0xd: {  	[smem:$0x3FAB] =	sst s5  }
0xe: {  	[smem:$0x3FAC] =	sst s6  }
0xf: {  	[smem:$0x3FAD] =	sst s7  }
0x10: {  	[smem:$0x3FAE] =	sst s8  }
0x11: {  	[smem:$0x3FAF] =	sst s9;
	s0 =	simm.s32 @!p0 $0x0  }
0x12: {  	s1 =	sld [smem:$0x3F95];
	s0 =	simm.s32 @p0 $0x1  }
0x13: {  	[smem:$0x3FB0] =	sst s0;
	s0 =	simm.s32 @!p1 $0x0  }
0x14: {  	s2 =	sld [smem:$0x3F94];
	s0 =	simm.s32 @p1 $0x1  }
0x15: {  	[smem:$0x3FB1] =	sst s0;
	s0 =	simm.s32 @!p2 $0x0  }
0x16: {  	s3 =	sld [smem:$0x3FDB];
	s0 =	simm.s32 @p2 $0x1  }
0x17: {  	s4 =	simm.s32 $0x1BF5;
	[smem:$0x3FB3] =	sst s0  }
0x18: {  	s0 =	sld [smem:$0x3F96];
	_ =	swait.ge [sflag:s4], $0x0  }
0x19: {  	s7 =	sld [smem:$0x3F97]  }
0x1a: {  	s8 =	sadd.s32 $0xFFFFE003, lr  }
0x1b: {  	s9 =	sadd.s32 $0xFFFFFEF7, lr;
	s5 =	simm.s32 $0xFFFFFFFF;
	p2 =	slt.u32 s8, $0xFFFFF086  }
0x1c: {  	p1 =	slt.u32 s9, $0xF7A;
	s5 =	simm.s32 @!p2 $0x0  }
0x1d: {  	s5 =	simm.s32 @p1 $0x1;
	p0 =	seq.s32 s7, s2  }
0x1e: {  	s7 =	smul.u32 @!p0 $0xF7A, s2;
	p2 =	seq.s32 @!p0 s5, $0x0  }
0x1f: {  	s9 =	smul.u32 $0xF7A, s1;
	s8 =	simm.s32 @!p0 $0x1BF5;
	p2 =	por !p2, p0  }
0x20: {  	[sflag:s8] =	ssyncset.s32 @!p0 $0xFFFFF086;
	s6 =	sadd.s32 @!p0 s3, s7;
	s7 =	simm.s32 @!p0 $0x108  }
0x21: {  	s3 =	sadd.s32 s3, s9;
	s6 =	sadd.s32 @!p0 $0x88, s6;
	s7 =	simm.s32 @p2 $0x1082  }
0x22: {  	[simem:s7], [sflag:s8] =	dma.local @!p0 [hbm:s6], $0xF7A  }
0x23: {  	s9 =	sor.u32 $0xD0000000, s2;
	s6 =	simm.s32 $0x108;
	_ =	swait.ge @!p0 [sflag:s8], $0x0  }
0x24: {  	s3 =	sadd.s32 $0x88, s3;
	s6 =	simm.s32 @!p1 $0x1082;
	[sflag:s4] =	ssyncset.s32 $0xFFFFF086  }
0x25: {  	[simem:s6], [sflag:s4] =	dma.local [hbm:s3], $0xF7A  }
0x26: {  	[smem:$0x3F97] =	sst s1;
	(tag) =	ssettag s2;
	_ =	strace s9  }
0x27: {  	s1 =	sld [smem:$0x3FA7]  }
0x28: {  	s2 =	sld [smem:$0x3FA8]  }
0x29: {  	s4 =	sld [smem:$0x3FAA]  }
0x2a: {  	p0 =	seq.s32 s5, $0x0;
	s5 =	sld [smem:$0x3FAB]  }
0x2b: {  	s6 =	sld [smem:$0x3FAC]  }
0x2c: {  	s7 =	sld [smem:$0x3FAD]  }
0x2d: {  	s3 =	simm.s32 $0x108;
	s8 =	sld [smem:$0x3FAE]  }
0x2e: {  	s3 =	simm.s32 @!p0 $0x1082;
	s9 =	sld [smem:$0x3FAF]  }
0x2f: {  	lr =	sadd.s32 s0, s3;
	s0 =	sld [smem:$0x3FA6]  }
0x30: {  	s3 =	sld [smem:$0x3FA9]  }
0x31: {  	[smem:$0x3FB2] =	sst s10  }
0x32: {  	s10 =	sld [smem:$0x3FB0];
	_ =	sdelay $0x3  }
0x33: {  	p0 =	seq.s32 s10, $0x1;
	s10 =	sld [smem:$0x3FB2];
	_ =	sdelay $0x3  }
0x34: {  	[smem:$0x3FB2] =	sst s10  }
0x35: {  	s10 =	sld [smem:$0x3FB1];
	_ =	sdelay $0x3  }
0x36: {  	p1 =	seq.s32 s10, $0x1;
	s10 =	sld [smem:$0x3FB2];
	_ =	sdelay $0x3  }
0x37: {  	[smem:$0x3FB2] =	sst s10  }
0x38: {  	s10 =	sld [smem:$0x3FB3]  }
0x39: {  	_ = 	snop;
	(pc) =	sbr.ind lr, $3  }
0x3a: {  	_ = 	snop  }
0x3b: {  	_ = 	snop  }
0x3c: {  	p2 =	seq.s32 s10, $0x1;
	s10 =	sld [smem:$0x3FB2]  }
0x3d: {  	_ =	shalt  }
0x3e: {  	_ =	shalt  }
0x3f: {  	_ =	shalt  }
0x40: {  	_ =	shalt  }
0x41: {  	_ =	shalt  }
0x42: {  	_ =	shalt  }
0x43: {  	_ =	shalt  }
0x44: {  	_ =	shalt  }
0x45: {  	_ =	shalt  }
0x46: {  	_ =	shalt  }
0x47: {  	_ =	shalt  }
0x48: {  	_ =	shalt  }
0x49: {  	_ =	shalt  }
0x4a: {  	_ =	shalt  }
0x4b: {  	_ =	shalt  }
0x4c: {  	_ =	shalt  }
0x4d: {  	_ =	shalt  }
0x4e: {  	_ =	shalt  }
0x4f: {  	_ =	shalt  }
0x50: {  	_ =	shalt  }
0x51: {  	_ =	shalt  }
0x52: {  	_ =	shalt  }
0x53: {  	_ =	shalt  }
0x54: {  	_ =	shalt  }
0x55: {  	_ =	shalt  }
0x56: {  	_ =	shalt  }
0x57: {  	_ =	shalt  }
0x58: {  	_ =	shalt  }
0x59: {  	_ =	shalt  }
0x5a: {  	_ =	shalt  }
0x5b: {  	_ =	shalt  }
0x5c: {  	_ =	shalt  }
0x5d: {  	_ =	shalt  }
0x5e: {  	_ =	shalt  }
0x5f: {  	_ =	shalt  }
0x60: {  	_ =	shalt  }
0x61: {  	_ =	shalt  }
0x62: {  	_ =	shalt  }
0x63: {  	_ =	shalt  }
0x64: {  	_ =	shalt  }
0x65: {  	_ =	shalt  }
0x66: {  	_ =	shalt  }
0x67: {  	_ =	shalt  }
0x68: {  	_ =	shalt  }
0x69: {  	_ =	shalt  }
0x6a: {  	_ =	shalt  }
0x6b: {  	_ =	shalt  }
0x6c: {  	_ =	shalt  }
0x6d: {  	_ =	shalt  }
0x6e: {  	_ =	shalt  }
0x6f: {  	_ =	shalt  }
0x70: {  	_ =	shalt  }
0x71: {  	_ =	shalt  }
0x72: {  	_ =	shalt  }
0x73: {  	_ =	shalt  }
0x74: {  	_ =	shalt  }
0x75: {  	_ =	shalt  }
0x76: {  	_ =	shalt  }
0x77: {  	_ =	shalt  }
0x78: {  	_ =	shalt  }
0x79: {  	_ =	shalt  }
0x7a: {  	_ =	shalt  }
0x7b: {  	_ =	shalt  }
0x7c: {  	_ =	shalt  }
0x7d: {  	_ =	shalt  }
0x7e: {  	_ =	shalt  }
0x7f: {  	_ =	shalt  }
0x80: {  	_ =	shalt  }
0x81: {  	_ =	shalt  }
0x82: {  	_ =	shalt  }
0x83: {  	_ =	shalt  }
0x84: {  	_ =	shalt  }
0x85: {  	_ =	shalt  }
0x86: {  	_ =	shalt  }
0x87: {  	_ =	shalt  }
.Lfunc_end0:
.L_simem_size_0:
called_computation.2_lowered:
.L_overlay_start_0:
0x88: {  	s2 =	sld [smem:$0x3FD9]  }
0x89: {  	s3 =	sld [smem:$0x3FFE];
	_ =	sdelay $0x1  }
0x8a: {  	s1 =	srdreg.scid  }
0x8b: {  	s0 =	sand.u32 $0x1, s1  }
0x8c: {  	s17 =	sshll.u32 s0, $0xA;
	s2 =	sadd.s32 s3, s2  }
0x8d: {  	s2 =	sadd.s32 s2, s17  }
0x8e: {  	[smem:$0x3FBE] =	sst s2  }
0x8f: {  	_ = 	snop  }
0x90: {  	(tm) =	ssettm $0x1  }
0x91: {  	s18 =	sld [smem:$0x3FFB];
	_ =	sdelay $0x3  }
0x92: {  	_ =	strace s18  }
0x93: {  	s2 =	sld [smem:$0x3FFC];
	_ =	sdelay $0x3  }
0x94: {  	_ =	strace s2  }
0x95: {  	s2 =	sld [smem:$0x3FFD];
	_ =	sdelay $0x3  }
0x96: {  	_ =	strace s2  }
0x97: {  	_ =	strace $0x8FFFFFFF  }
0x98: {  	s19 =	sld [smem:$0x3FDB];
	_ =	sdelay $0x1  }
0x99: {  	s20 =	simm.s32 $_scs_section_size  }
0x9a: {  	s4 =	simm.s32 $_size__tile_overlayer_lowered;
	s5 =	simm.s32 $_tile_overlayer_lowered  }
0x9b: {  	s6 =	simm.s32 $0x1BFF;
	s21 =	sshll.u32 s5, $0x1;
	s3 =	sadd.s32 s20, s19  }
0x9c: {  	s22 =	simm.s32 $0x0;
	s4 =	sshll.u32 s4, $0x1;
	s5 =	sadd.s32 s21, s3  }
0x9d: {  	[timem:s22], [sflag:s6] =	dma.local [hbm:s5], s4  }
0x9e: {  	_ =	swait.ge [sflag:s6], s4  }
0x9f: {  	s4 =	ssub.s32 $0x0, s4;
	[sflag:s6] =	ssyncset.done $0x0  }
0xa0: {  	[sflag:s6] =	ssyncadd.s32 s4;
	_ =	sdelay $0x1  }
0xa1: {  	s23 =	simm.s32 $0x1B8B  }
0xa2: {  	_ =	swait.ge [sflag:s23], $0x1  }
0xa3: {  	[sflag:s23] =	ssyncset.done $0x0  }
0xa4: {  	[sflag:s23] =	ssyncadd.s32 $0xFFFFFFFF  }
0xa5: {  	s4 =	sld [smem:$0x0]  }
0xa6: {  	s5 =	sand.u32 $0xFFFFFFFE, s1  }
0xa7: {  	p0 =	sne.s32 s1, s5  }
0xa8: {  	s5 =	sshll.u32 @p0 s5, $0xE  }
0xa9: {  	s5 =	sadd.s32 @p0 $0x11B8D, s5;
	s6 =	sshll.u32 @p0 s4, $0x11  }
0xaa: {  	s5 =	sor.u32 @p0 s6, s5  }
0xab: {  	[sflag:s5] =	ssyncadd.remote.s32 @p0 $0x1;
	_ =	sdelay $0x1  }
0xac: {  	s5 =	simm.s32 @p0 $0x1B8D  }
0xad: {  	_ =	swait.eq @p0 [sflag:s5], $0x1  }
0xae: {  	[sflag:s5] =	ssyncadd.s32 @p0 $0xFFFFFFFF  }
0xaf: {  	s6 =	sshll.u32 @!p0 s1, $0xE  }
0xb0: {  	s6 =	sor.u32 @!p0 $0x4000, s6;
	s5 =	simm.s32 @!p0 $0x1B8D  }
0xb1: {  	s4 =	sshll.u32 @!p0 s4, $0x11;
	s6 =	sadd.s32 @!p0 $0x11B8D, s6;
	_ =	swait.eq @!p0 [sflag:s5], $0x1  }
0xb2: {  	s4 =	sor.u32 @!p0 s4, s6;
	[sflag:s5] =	ssyncadd.s32 @!p0 $0xFFFFFFFF  }
0xb3: {  	s25 =	simm.s32 $0x1B8E;
	s24 =	sld [smem:$0x3FFE];
	[sflag:s4] =	ssyncadd.remote.s32 @!p0 $0x1  }
0xb4: {  	s26 =	simm.s32 $execute0_lowered;
	[smem:$0x3FD2] =	sst s25  }
0xb5: {  	s5 =	sshll.u32 s26, $0x1;
	_ =	strace $0x8000004C;
	[dreg:$0x1] =	wrdreg $0xFFFFFFFF  }
0xb6: {  	s28 =	simm.s32 $_size_execute0_lowered;
	s3 =	sadd.s32 s3, s5;
	[dreg:$0x0] =	wrdreg $0x0  }
0xb7: {  	s5 =	sshll.u32 s28, $0x1;
	[dreg:$0x2] =	wrdreg s3  }
0xb8: {  	[dreg:$0x3] =	wrdreg s5  }
0xb9: {  	[dreg:$0x4] =	wrdreg $0xC0  }
0xba: {  	_ =	task [dreg:s22], $0x5FFFF  }
0xbb: {  	[dreg:$0x1] =	wrdreg $0xFFFFFFFF  }
0xbc: {  	[dreg:$0x0] =	wrdreg $0x60  }
0xbd: {  	[dreg:$0x2] =	wrdreg s24  }
0xbe: {  	[dreg:$0x3] =	wrdreg $0xB  }
0xbf: {  	_ =	task.clear_ibuf [dreg:s22], $0x4FFFF;
	_ =	strace $0x9000004C  }
0xc0: {  	s29 =	simm.s32 $0xB;
	_ =	strace $0x8000004E  }
0xc1: {  	_ =	swait.ge [sflag:s29], $0x1  }
0xc2: {  	[sflag:s29] =	ssyncadd.s32 $0xFFFFFFFF  }
0xc3: {  	_ =	strace $0x9000004E  }
0xc4: {  	_ =	sfence  }
0xc5: {  	s30 =	sld [smem:$0x0];
	_ =	sdelay $0x2  }
0xc6: {  	s31 =	sshll.u32 s1, $0xD;
	s1 =	sshrl.u32 s1, $0x2  }
0xc7: {  	s4 =	sand.u32 $0x4000, s31;
	s1 =	sadd.s32 s1, s30  }
0xc8: {  	s0 =	sor.u32 s4, s0;
	s1 =	sshll.u32 s1, $0x11  }
0xc9: {  	s0 =	sor.u32 s1, s0  }
0xca: {  	s0 =	sadd.s32 $0x8F2B, s0  }
0xcb: {  	[sflag:s0] =	ssyncadd.remote.s32 $0x1  }
0xcc: {  	_ =	sfence.sel $0xFFFF  }
0xcd: {  	[dreg:$0x0] =	wrdreg $0xFFFFFFFF;
	(pc) =	sbr.abs _section_cstart, $3  }
0xce: {  	[dreg:$0x1] =	wrdreg $0xFFFFFFFF  }
0xcf: {  	_ =	task.clear_ibuf [dreg:s22], $0x2FFFF;
	_ =	strace $0x9FFFFFFF  }
0xd0: {  	(tm) =	ssettm $0x7FFFFFFF  }
0xd1: {  	_ =	shalt  }
tec
execute0_lowered:
.L_overlay_start_1:
0x0: {  	(tag) =	ssettag $0x1  }
0x1: {  	s1 =	srdreg.scid  }
0x2: {  	s0 =	stileid.u32;
	s6 =	sand.u32 $0x1, s1  }
0x3: {  	s8 =	rddreg [dreg:$0x0];
	s30 =	sshll.u32 s0, $0xD;
	s2 =	sshll.u32 s6, $0xC  }
0x4: {  	s7 =	simm.s32 $0x1;
	s1 =	rddreg [dreg:$0x1];
	s9 =	sor.u32 s2, s30  }
0x5: {  	s5 =	sadd.s32 $0x22F200, s8;
	s2 =	simm.s32 $0x0;
	s3 =	sshrl.u32 s9, $0x3  }
0x6: {  	s10 =	ssub.s32 $0x2, s6;
	[smem:$0x7FF] =	sst s2;
	s3 =	sadd.s32 s3, s8  }
0x7: {  	_ =	strace $0x8000004D;
	s4 =	sadd.s32 $0x10B200, s3;
	s3 =	simm.s32 $0x2  }
0x8: {  	[tilespmem:s2], [sflag:$0x2] =	stream.linear.gather [hbm4b:s4+s2], $0x1000, $0x38;
	[tilespmem:$0x11000] =	vst v63  }
0x9: {  	s6 =	simm.s32 $0x1000;
	s11 =	sshrl.u32 s10, $0x1;
	_ =	swait.ge [sflag:s3], $0x1000  }
0xa: {  	s9 =	sshll.u32 s9, $0x1;
	s31 =	ssub.s32 s10, s11;
	[sflag:s3] =	ssyncset.done $0x0  }
0xb: {  	s8 =	sadd.s32 s9, s8;
	s9 =	smax.u32 s31, $0x1;
	[sflag:s3] =	ssyncadd.s32 $0xFFFFF000  }
0xc: {  	[tilespmem:s6], [sflag:$0x1] =	stream.indirect.gather [hbm4b:s5+s6], $0x10, s2, s6, $0xb8;
	[tilespmem:$0x11000] =	vst v63  }
0xd: {  	p0 =	sne.s32 s9, $0x1;
	_ =	swait.ge [sflag:s7], $0x10000  }
.Ltmp0:
0xe: {  	[sflag:s7] =	ssyncset.done $0x0;
	(pc) =	sbr.rel @!p0 .LBB2_2-.Ltmp0, $4  }
0xf: {  	s8 =	sadd.s32 $0x2C7200, s8;
	[sflag:s7] =	ssyncadd.s32 $0xFFFF0000  }
0x10: {  	[hbm4b:s8+s2] =	stream.linear.scatter [tilespmem:s6], [sflag:$0x2], $0x10000, $0x38;
	[tilespmem:$0x11000] =	vst v63  }
0x11: {  	_ =	swait.ge [sflag:s3], $0x10000  }
0x12: {  	s9 =	sadd.s32 $0xFFFFFFFF, s9;
	[sflag:s3] =	ssyncset.done $0x0  }
.LBB2_1:
0x13: {  	p0 =	sne.s32 s9, $0x1;
	s9 =	sadd.s32 $0xFFFFFFFF, s9;
	[sflag:s3] =	ssyncadd.s32 $0xFFFF0000  }
0x14: {  	[tilespmem:s2], [sflag:$0x2] =	stream.linear.gather [hbm4b:s4+s2], $0x1000, $0x38;
	[tilespmem:$0x11000] =	vst v63  }
0x15: {  	_ =	swait.ge [sflag:s3], $0x1000  }
0x16: {  	[sflag:s3] =	ssyncset.done $0x0  }
0x17: {  	[sflag:s3] =	ssyncadd.s32 $0xFFFFF000  }
0x18: {  	[tilespmem:s6], [sflag:$0x1] =	stream.indirect.gather [hbm4b:s5+s6], $0x10, s2, s6, $0xb8;
	[tilespmem:$0x11000] =	vst v63  }
0x19: {  	_ =	swait.ge [sflag:s7], $0x10000  }
.Ltmp1:
0x1a: {  	[sflag:s7] =	ssyncset.done $0x0;
	(pc) =	sbr.rel @p0 .LBB2_1-.Ltmp1, $4  }
0x1b: {  	[sflag:s7] =	ssyncadd.s32 $0xFFFF0000  }
0x1c: {  	[hbm4b:s8+s2] =	stream.linear.scatter [tilespmem:s6], [sflag:$0x2], $0x10000, $0x38;
	[tilespmem:$0x11000] =	vst v63  }
0x1d: {  	_ =	swait.ge [sflag:s3], $0x10000  }
0x1e: {  	[sflag:s3] =	ssyncset.done $0x0  }
.LBB2_2:
0x1f: {  	[sflag:s3] =	ssyncadd.s32 $0xFFFF0000  }
0x20: {  	_ =	sfence.sel $0x180000  }
0x21: {  	[bflag:$0x0] =	sbarrier.arrive $0xFFFF  }
0x22: {  	p0 =	sne.s32 s0, $0x0;
	_ =	strace $0x9000004D  }
0x23: {  	s0 =	sadd.s32 @!p0 $0x100000, s1;
	[bflag:$0x2] =	sbarrier.arrive $0xFFFF  }
0x24: {  	[sflag:s0] =	ssyncadd.tile.s32 @!p0 $0x1;
	_ =	shalt  }
.Lfunc_end2:
_tile_overlayer_lowered:
.L_overlay_start_2:
0x25: {  	(tag) =	ssettag $0x2  }
0x26: {  	s0 =	rddreg [dreg:$0x0];
	s2 =	stileid.u32  }
0x27: {  	s1 =	rddreg [dreg:$0x1];
	p0 =	sne.s32 s2, $0x0  }
0x28: {  	s3 =	rddreg [dreg:$0x2];
	[bflag:$0x3] =	sbarrier.arrive $0xFFFF;
	s2 =	simm.s32 @!p0 $0x1C02  }
0x29: {  	[timem:s3], [sflag:s2] =	dma.local @!p0 [hbm:s0], s1  }
0x2a: {  	s0 =	simm.s32 @!p0 $0x2  }
0x2b: {  	_ =	swait.ge @!p0 [sflag:s0], s1  }
0x2c: {  	s1 =	ssub.s32 @!p0 $0x0, s1;
	[sflag:s0] =	ssyncset.done @!p0 $0x0  }
0x2d: {  	[sflag:s0] =	ssyncadd.s32 @!p0 s1  }
0x2e: {  	[bflag:$0x3] =	sbarrier.arrive $0xFFFF  }
0x2f: {  	_ =	shalt  }

// kernel: sc_gather_fc.3.cloned.1.call-start
scs
__scs_entry_jumppad:
0x0: {  	(pc) =	sbr.rel $0x88, $3  }
0x1: {  	(tag) =	ssettag $0x0;
	lr =	simm.s32 $0x1  }
0x2: {  	[smem:$0x3F97] =	sst lr;
	_ =	strace $0xD0000000  }
0x3: {  	_ = 	snop  }
0x4: {  	_ = 	snop  }
0x5: {  	_ = 	snop  }
0x6: {  	_ = 	snop  }
0x7: {  	_ = 	snop  }
__scs_overlays_trampoline_lowered:
0x8: {  	[smem:$0x3FA6] =	sst s0  }
0x9: {  	[smem:$0x3FA7] =	sst s1  }
0xa: {  	[smem:$0x3FA8] =	sst s2  }
0xb: {  	[smem:$0x3FA9] =	sst s3  }
0xc: {  	[smem:$0x3FAA] =	sst s4  }
0xd: {  	[smem:$0x3FAB] =	sst s5  }
0xe: {  	[smem:$0x3FAC] =	sst s6  }
0xf: {  	[smem:$0x3FAD] =	sst s7  }
0x10: {  	[smem:$0x3FAE] =	sst s8  }
0x11: {  	[smem:$0x3FAF] =	sst s9;
	s0 =	simm.s32 @!p0 $0x0  }
0x12: {  	s1 =	sld [smem:$0x3F95];
	s0 =	simm.s32 @p0 $0x1  }
0x13: {  	[smem:$0x3FB0] =	sst s0;
	s0 =	simm.s32 @!p1 $0x0  }
0x14: {  	s2 =	sld [smem:$0x3F94];
	s0 =	simm.s32 @p1 $0x1  }
0x15: {  	[smem:$0x3FB1] =	sst s0;
	s0 =	simm.s32 @!p2 $0x0  }
0x16: {  	s3 =	sld [smem:$0x3FDB];
	s0 =	simm.s32 @p2 $0x1  }
0x17: {  	s4 =	simm.s32 $0x1BF5;
	[smem:$0x3FB3] =	sst s0  }
0x18: {  	s0 =	sld [smem:$0x3F96];
	_ =	swait.ge [sflag:s4], $0x0  }
0x19: {  	s7 =	sld [smem:$0x3F97]  }
0x1a: {  	s8 =	sadd.s32 $0xFFFFE003, lr  }
0x1b: {  	s9 =	sadd.s32 $0xFFFFFEF7, lr;
	s5 =	simm.s32 $0xFFFFFFFF;
	p2 =	slt.u32 s8, $0xFFFFF086  }
0x1c: {  	p1 =	slt.u32 s9, $0xF7A;
	s5 =	simm.s32 @!p2 $0x0  }
0x1d: {  	s5 =	simm.s32 @p1 $0x1;
	p0 =	seq.s32 s7, s2  }
0x1e: {  	s7 =	smul.u32 @!p0 $0xF7A, s2;
	p2 =	seq.s32 @!p0 s5, $0x0  }
0x1f: {  	s9 =	smul.u32 $0xF7A, s1;
	s8 =	simm.s32 @!p0 $0x1BF5;
	p2 =	por !p2, p0  }
0x20: {  	[sflag:s8] =	ssyncset.s32 @!p0 $0xFFFFF086;
	s6 =	sadd.s32 @!p0 s3, s7;
	s7 =	simm.s32 @!p0 $0x108  }
0x21: {  	s3 =	sadd.s32 s3, s9;
	s6 =	sadd.s32 @!p0 $0x88, s6;
	s7 =	simm.s32 @p2 $0x1082  }
0x22: {  	[simem:s7], [sflag:s8] =	dma.local @!p0 [hbm:s6], $0xF7A  }
0x23: {  	s9 =	sor.u32 $0xD0000000, s2;
	s6 =	simm.s32 $0x108;
	_ =	swait.ge @!p0 [sflag:s8], $0x0  }
0x24: {  	s3 =	sadd.s32 $0x88, s3;
	s6 =	simm.s32 @!p1 $0x1082;
	[sflag:s4] =	ssyncset.s32 $0xFFFFF086  }
0x25: {  	[simem:s6], [sflag:s4] =	dma.local [hbm:s3], $0xF7A  }
0x26: {  	[smem:$0x3F97] =	sst s1;
	(tag) =	ssettag s2;
	_ =	strace s9  }
0x27: {  	s1 =	sld [smem:$0x3FA7]  }
0x28: {  	s2 =	sld [smem:$0x3FA8]  }
0x29: {  	s4 =	sld [smem:$0x3FAA]  }
0x2a: {  	p0 =	seq.s32 s5, $0x0;
	s5 =	sld [smem:$0x3FAB]  }
0x2b: {  	s6 =	sld [smem:$0x3FAC]  }
0x2c: {  	s7 =	sld [smem:$0x3FAD]  }
0x2d: {  	s3 =	simm.s32 $0x108;
	s8 =	sld [smem:$0x3FAE]  }
0x2e: {  	s3 =	simm.s32 @!p0 $0x1082;
	s9 =	sld [smem:$0x3FAF]  }
0x2f: {  	lr =	sadd.s32 s0, s3;
	s0 =	sld [smem:$0x3FA6]  }
0x30: {  	s3 =	sld [smem:$0x3FA9]  }
0x31: {  	[smem:$0x3FB2] =	sst s10  }
0x32: {  	s10 =	sld [smem:$0x3FB0];
	_ =	sdelay $0x3  }
0x33: {  	p0 =	seq.s32 s10, $0x1;
	s10 =	sld [smem:$0x3FB2];
	_ =	sdelay $0x3  }
0x34: {  	[smem:$0x3FB2] =	sst s10  }
0x35: {  	s10 =	sld [smem:$0x3FB1];
	_ =	sdelay $0x3  }
0x36: {  	p1 =	seq.s32 s10, $0x1;
	s10 =	sld [smem:$0x3FB2];
	_ =	sdelay $0x3  }
0x37: {  	[smem:$0x3FB2] =	sst s10  }
0x38: {  	s10 =	sld [smem:$0x3FB3]  }
0x39: {  	_ = 	snop;
	(pc) =	sbr.ind lr, $3  }
0x3a: {  	_ = 	snop  }
0x3b: {  	_ = 	snop  }
0x3c: {  	p2 =	seq.s32 s10, $0x1;
	s10 =	sld [smem:$0x3FB2]  }
0x3d: {  	_ =	shalt  }
0x3e: {  	_ =	shalt  }
0x3f: {  	_ =	shalt  }
0x40: {  	_ =	shalt  }
0x41: {  	_ =	shalt  }
0x42: {  	_ =	shalt  }
0x43: {  	_ =	shalt  }
0x44: {  	_ =	shalt  }
0x45: {  	_ =	shalt  }
0x46: {  	_ =	shalt  }
0x47: {  	_ =	shalt  }
0x48: {  	_ =	shalt  }
0x49: {  	_ =	shalt  }
0x4a: {  	_ =	shalt  }
0x4b: {  	_ =	shalt  }
0x4c: {  	_ =	shalt  }
0x4d: {  	_ =	shalt  }
0x4e: {  	_ =	shalt  }
0x4f: {  	_ =	shalt  }
0x50: {  	_ =	shalt  }
0x51: {  	_ =	shalt  }
0x52: {  	_ =	shalt  }
0x53: {  	_ =	shalt  }
0x54: {  	_ =	shalt  }
0x55: {  	_ =	shalt  }
0x56: {  	_ =	shalt  }
0x57: {  	_ =	shalt  }
0x58: {  	_ =	shalt  }
0x59: {  	_ =	shalt  }
0x5a: {  	_ =	shalt  }
0x5b: {  	_ =	shalt  }
0x5c: {  	_ =	shalt  }
0x5d: {  	_ =	shalt  }
0x5e: {  	_ =	shalt  }
0x5f: {  	_ =	shalt  }
0x60: {  	_ =	shalt  }
0x61: {  	_ =	shalt  }
0x62: {  	_ =	shalt  }
0x63: {  	_ =	shalt  }
0x64: {  	_ =	shalt  }
0x65: {  	_ =	shalt  }
0x66: {  	_ =	shalt  }
0x67: {  	_ =	shalt  }
0x68: {  	_ =	shalt  }
0x69: {  	_ =	shalt  }
0x6a: {  	_ =	shalt  }
0x6b: {  	_ =	shalt  }
0x6c: {  	_ =	shalt  }
0x6d: {  	_ =	shalt  }
0x6e: {  	_ =	shalt  }
0x6f: {  	_ =	shalt  }
0x70: {  	_ =	shalt  }
0x71: {  	_ =	shalt  }
0x72: {  	_ =	shalt  }
0x73: {  	_ =	shalt  }
0x74: {  	_ =	shalt  }
0x75: {  	_ =	shalt  }
0x76: {  	_ =	shalt  }
0x77: {  	_ =	shalt  }
0x78: {  	_ =	shalt  }
0x79: {  	_ =	shalt  }
0x7a: {  	_ =	shalt  }
0x7b: {  	_ =	shalt  }
0x7c: {  	_ =	shalt  }
0x7d: {  	_ =	shalt  }
0x7e: {  	_ =	shalt  }
0x7f: {  	_ =	shalt  }
0x80: {  	_ =	shalt  }
0x81: {  	_ =	shalt  }
0x82: {  	_ =	shalt  }
0x83: {  	_ =	shalt  }
0x84: {  	_ =	shalt  }
0x85: {  	_ =	shalt  }
0x86: {  	_ =	shalt  }
0x87: {  	_ =	shalt  }
.Lfunc_end0:
.L_simem_size_0:
called_computation_lowered:
.L_overlay_start_0:
0x88: {  	s2 =	sld [smem:$0x3FD9]  }
0x89: {  	s3 =	sld [smem:$0x3FFE];
	_ =	sdelay $0x1  }
0x8a: {  	s1 =	srdreg.scid  }
0x8b: {  	s0 =	sand.u32 $0x1, s1  }
0x8c: {  	s16 =	sshll.u32 s0, $0xA;
	s2 =	sadd.s32 s3, s2  }
0x8d: {  	s2 =	sadd.s32 s2, s16  }
0x8e: {  	[smem:$0x3FBE] =	sst s2  }
0x8f: {  	_ = 	snop  }
0x90: {  	(tm) =	ssettm $0x1  }
0x91: {  	s17 =	sld [smem:$0x3FFB];
	_ =	sdelay $0x3  }
0x92: {  	_ =	strace s17  }
0x93: {  	s2 =	sld [smem:$0x3FFC];
	_ =	sdelay $0x3  }
0x94: {  	_ =	strace s2  }
0x95: {  	s2 =	sld [smem:$0x3FFD];
	_ =	sdelay $0x3  }
0x96: {  	_ =	strace s2  }
0x97: {  	_ =	strace $0x8FFFFFFF  }
0x98: {  	s18 =	sld [smem:$0x3FDB];
	_ =	sdelay $0x1  }
0x99: {  	s19 =	simm.s32 $_scs_section_size  }
0x9a: {  	s4 =	simm.s32 $_size__tile_overlayer_lowered;
	s5 =	simm.s32 $_tile_overlayer_lowered  }
0x9b: {  	s22 =	simm.s32 $0x1BFF;
	s21 =	sshll.u32 s5, $0x1;
	s2 =	sadd.s32 s19, s18  }
0x9c: {  	s6 =	simm.s32 $0x0;
	s20 =	sshll.u32 s4, $0x1;
	s4 =	sadd.s32 s21, s2  }
0x9d: {  	[timem:s6], [sflag:s22] =	dma.local [hbm:s4], s20  }
0x9e: {  	_ =	swait.ge [sflag:s22], s20  }
0x9f: {  	s3 =	ssub.s32 $0x0, s20;
	[sflag:s22] =	ssyncset.done $0x0  }
0xa0: {  	[sflag:s22] =	ssyncadd.s32 s3;
	_ =	sdelay $0x1  }
0xa1: {  	s23 =	simm.s32 $0x1B8B  }
0xa2: {  	_ =	swait.ge [sflag:s23], $0x1  }
0xa3: {  	[sflag:s23] =	ssyncset.done $0x0  }
0xa4: {  	s25 =	simm.s32 $0x1B8E;
	s24 =	sld [smem:$0x3FFE];
	[sflag:s23] =	ssyncadd.s32 $0xFFFFFFFF  }
0xa5: {  	s26 =	simm.s32 $execute0_lowered;
	[smem:$0x3FD2] =	sst s25  }
0xa6: {  	s4 =	sshll.u32 s26, $0x1;
	_ =	strace $0x80000046;
	[dreg:$0x1] =	wrdreg $0xFFFFFFFF  }
0xa7: {  	s28 =	simm.s32 $_size_execute0_lowered;
	s2 =	sadd.s32 s2, s4;
	[dreg:$0x0] =	wrdreg $0x0  }
0xa8: {  	s4 =	sshll.u32 s28, $0x1;
	[dreg:$0x2] =	wrdreg s2  }
0xa9: {  	[dreg:$0x3] =	wrdreg s4  }
0xaa: {  	[dreg:$0x4] =	wrdreg $0xC0  }
0xab: {  	_ =	task [dreg:s6], $0x5FFFF  }
0xac: {  	[dreg:$0x1] =	wrdreg $0xFFFFFFFF  }
0xad: {  	[dreg:$0x0] =	wrdreg $0x60  }
0xae: {  	[dreg:$0x2] =	wrdreg s24  }
0xaf: {  	[dreg:$0x3] =	wrdreg $0x9  }
0xb0: {  	_ =	task.clear_ibuf [dreg:s6], $0x4FFFF;
	_ =	strace $0x90000046  }
0xb1: {  	s29 =	simm.s32 $0x9;
	_ =	strace $0x80000048  }
0xb2: {  	_ =	swait.ge [sflag:s29], $0x1  }
0xb3: {  	[sflag:s29] =	ssyncadd.s32 $0xFFFFFFFF  }
0xb4: {  	_ =	strace $0x90000048  }
0xb5: {  	_ =	sfence  }
0xb6: {  	s30 =	sld [smem:$0x0];
	_ =	sdelay $0x2  }
0xb7: {  	s31 =	sshll.u32 s1, $0xD;
	s1 =	sshrl.u32 s1, $0x2  }
0xb8: {  	s3 =	sand.u32 $0x4000, s31;
	s1 =	sadd.s32 s1, s30  }
0xb9: {  	s0 =	sor.u32 s3, s0;
	s1 =	sshll.u32 s1, $0x11  }
0xba: {  	s0 =	sor.u32 s1, s0  }
0xbb: {  	s0 =	sadd.s32 $0x8F2B, s0  }
0xbc: {  	[sflag:s0] =	ssyncadd.remote.s32 $0x1  }
0xbd: {  	_ =	sfence.sel $0xFFFF  }
0xbe: {  	[dreg:$0x0] =	wrdreg $0xFFFFFFFF;
	(pc) =	sbr.abs _section_cstart, $3  }
0xbf: {  	[dreg:$0x1] =	wrdreg $0xFFFFFFFF  }
0xc0: {  	_ =	task.clear_ibuf [dreg:s6], $0x2FFFF;
	_ =	strace $0x9FFFFFFF  }
0xc1: {  	(tm) =	ssettm $0x7FFFFFFF  }
tec
execute0_lowered:
.L_overlay_start_1:
0x0: {  	(tag) =	ssettag $0x1  }
0x1: {  	s1 =	srdreg.scid;
	s0 =	stileid.u32  }
0x2: {  	s21 =	sand.u32 $0x1, s1;
	s30 =	sshll.u32 s0, $0x1  }
0x3: {  	s15 =	rddreg [dreg:$0x0];
	s9 =	sor.u32 s21, s30  }
0x4: {  	s2 =	simm.s32 $0x0;
	s1 =	rddreg [dreg:$0x1];
	s3 =	sshll.u32 s9, $0x9  }
0x5: {  	[smem:$0x7FF] =	sst s2;
	s3 =	sadd.s32 s3, s15  }
0x6: {  	_ =	strace $0x80000047;
	s4 =	sadd.s32 $0x103200, s3;
	s3 =	simm.s32 $0x3  }
0x7: {  	[tilespmem:s2], [sflag:$0x3] =	stream.linear.gather [hbm4b:s4+s2], $0x1000, $0x38;
	[tilespmem:$0x12A00] =	vst v63  }
0x8: {  	_ =	swait.ge [sflag:s3], $0x1000  }
0x9: {  	s6 =	simm.s32 $0x1000;
	[sflag:s3] =	ssyncset.done $0x0  }
0xa: {  	s7 =	simm.s32 $0x1;
	s5 =	sadd.s32 $0x3200, s15;
	[sflag:s3] =	ssyncadd.s32 $0xFFFFF000  }
0xb: {  	[tilespmem:s6], [sflag:$0x1] =	stream.indirect.gather [hbm4b:s5+s6], $0x10, s2, s6, $0xb8;
	[tilespmem:$0x12A00] =	vst v63  }
0xc: {  	s8 =	sshll.u32 s9, $0xD;
	_ =	swait.ge [sflag:s7], $0x10000  }
0xd: {  	s8 =	sadd.s32 s8, s15;
	[sflag:s7] =	ssyncset.done $0x0  }
0xe: {  	s9 =	smul.u32 $0x3400, s9;
	s8 =	sadd.s32 $0x113200, s8;
	[sflag:s7] =	ssyncadd.s32 $0xFFFF0000  }
0xf: {  	[hbm4b:s8+s2] =	stream.linear.scatter [tilespmem:s6], [sflag:$0x3], $0x10000, $0x38;
	[tilespmem:$0x12A00] =	vst v63  }
0x10: {  	_ =	swait.ge [sflag:s3], $0x10000  }
0x11: {  	s20 =	sadd.s32 $0x9B200, s15;
	s22 =	sshrl.u32 s9, $0x3;
	[sflag:s3] =	ssyncset.done $0x0  }
0x12: {  	s10 =	simm.s32 $0x11000;
	s9 =	sadd.s32 s20, s22;
	[sflag:s3] =	ssyncadd.s32 $0xFFFF0000  }
0x13: {  	[tilespmem:s10], [sflag:$0x3] =	stream.linear.gather [hbm4b:s9+s2], $0xD00, $0x38;
	[tilespmem:$0x12A00] =	vst v63  }
0x14: {  	_ =	swait.ge [sflag:s3], $0xD00  }
0x15: {  	s12 =	simm.s32 $0xD00;
	s13 =	simm.s32 $0x11D00;
	[sflag:s3] =	ssyncset.done $0x0  }
0x16: {  	s14 =	simm.s32 $0x2;
	s11 =	sadd.s32 $0xA8200, s15;
	[sflag:s3] =	ssyncadd.s32 $0xFFFFF300  }
0x17: {  	[tilespmem:s13], [sflag:$0x2] =	stream.indirect.gather [hbm4b:s11+s12], $0x1, s10, s12, $0xb8;
	[tilespmem:$0x12A00] =	vst v63  }
0x18: {  	_ =	swait.ge [sflag:s14], $0xD00  }
0x19: {  	s23 =	sadd.s32 $0xC8200, s15;
	[sflag:s14] =	ssyncset.done $0x0  }
0x1a: {  	s15 =	sadd.s32 s23, s22;
	[sflag:s14] =	ssyncadd.s32 $0xFFFFF300  }
0x1b: {  	[hbm4b:s15+s2] =	stream.linear.scatter [tilespmem:s13], [sflag:$0x3], $0xD00, $0x38;
	[tilespmem:$0x12A00] =	vst v63  }
0x1c: {  	_ =	swait.ge [sflag:s3], $0xD00  }
0x1d: {  	s17 =	sadd.s32 $0x1A0, s22;
	[sflag:s3] =	ssyncset.done $0x0  }
0x1e: {  	s16 =	sadd.s32 s20, s17;
	[sflag:s3] =	ssyncadd.s32 $0xFFFFF300  }
0x1f: {  	[tilespmem:s10], [sflag:$0x3] =	stream.linear.gather [hbm4b:s16+s2], $0xD00, $0x38;
	[tilespmem:$0x12A00] =	vst v63  }
0x20: {  	_ =	swait.ge [sflag:s3], $0xD00  }
0x21: {  	[sflag:s3] =	ssyncset.done $0x0  }
0x22: {  	[sflag:s3] =	ssyncadd.s32 $0xFFFFF300  }
0x23: {  	[tilespmem:s13], [sflag:$0x2] =	stream.indirect.gather [hbm4b:s11+s12], $0x1, s10, s12, $0xb8;
	[tilespmem:$0x12A00] =	vst v63  }
0x24: {  	_ =	swait.ge [sflag:s14], $0xD00  }
0x25: {  	[sflag:s14] =	ssyncset.done $0x0  }
0x26: {  	s17 =	sadd.s32 s23, s17;
	[sflag:s14] =	ssyncadd.s32 $0xFFFFF300  }
0x27: {  	[hbm4b:s17+s2] =	stream.linear.scatter [tilespmem:s13], [sflag:$0x3], $0xD00, $0x38;
	[tilespmem:$0x12A00] =	vst v63  }
0x28: {  	_ =	swait.ge [sflag:s3], $0xD00  }
0x29: {  	s19 =	sadd.s32 $0x340, s22;
	[sflag:s3] =	ssyncset.done $0x0  }
0x2a: {  	s18 =	sadd.s32 s20, s19;
	[sflag:s3] =	ssyncadd.s32 $0xFFFFF300  }
0x2b: {  	[tilespmem:s10], [sflag:$0x3] =	stream.linear.gather [hbm4b:s18+s2], $0xD00, $0x38;
	[tilespmem:$0x12A00] =	vst v63  }
0x2c: {  	_ =	swait.ge [sflag:s3], $0xD00  }
0x2d: {  	[sflag:s3] =	ssyncset.done $0x0  }
0x2e: {  	[sflag:s3] =	ssyncadd.s32 $0xFFFFF300  }
0x2f: {  	[tilespmem:s13], [sflag:$0x2] =	stream.indirect.gather [hbm4b:s11+s12], $0x1, s10, s12, $0xb8;
	[tilespmem:$0x12A00] =	vst v63  }
0x30: {  	_ =	swait.ge [sflag:s14], $0xD00  }
0x31: {  	[sflag:s14] =	ssyncset.done $0x0  }
0x32: {  	s19 =	sadd.s32 s23, s19;
	[sflag:s14] =	ssyncadd.s32 $0xFFFFF300  }
0x33: {  	[hbm4b:s19+s2] =	stream.linear.scatter [tilespmem:s13], [sflag:$0x3], $0xD00, $0x38;
	[tilespmem:$0x12A00] =	vst v63  }
0x34: {  	_ =	swait.ge [sflag:s3], $0xD00  }
0x35: {  	s22 =	sadd.s32 $0x4E0, s22;
	[sflag:s3] =	ssyncset.done $0x0  }
0x36: {  	s21 =	ssub.s32 $0x2, s21;
	s20 =	sadd.s32 s20, s22;
	[sflag:s3] =	ssyncadd.s32 $0xFFFFF300  }
0x37: {  	[tilespmem:s10], [sflag:$0x3] =	stream.linear.gather [hbm4b:s20+s2], $0xD00, $0x38;
	[tilespmem:$0x12A00] =	vst v63  }
0x38: {  	s24 =	sshrl.u32 s21, $0x1;
	_ =	swait.ge [sflag:s3], $0xD00  }
0x39: {  	s24 =	ssub.s32 s21, s24;
	[sflag:s3] =	ssyncset.done $0x0  }
0x3a: {  	s31 =	smax.u32 s24, $0x1;
	[sflag:s3] =	ssyncadd.s32 $0xFFFFF300  }
0x3b: {  	[tilespmem:s13], [sflag:$0x2] =	stream.indirect.gather [hbm4b:s11+s12], $0x1, s10, s12, $0xb8;
	[tilespmem:$0x12A00] =	vst v63  }
0x3c: {  	p0 =	sne.s32 s31, $0x1;
	_ =	swait.ge [sflag:s14], $0xD00  }
.Ltmp0:
0x3d: {  	[sflag:s14] =	ssyncset.done $0x0;
	(pc) =	sbr.rel @!p0 .LBB2_2-.Ltmp0, $4  }
0x3e: {  	s21 =	sadd.s32 s23, s22;
	[sflag:s14] =	ssyncadd.s32 $0xFFFFF300  }
0x3f: {  	[hbm4b:s21+s2] =	stream.linear.scatter [tilespmem:s13], [sflag:$0x3], $0xD00, $0x38;
	[tilespmem:$0x12A00] =	vst v63  }
0x40: {  	_ =	swait.ge [sflag:s3], $0xD00  }
0x41: {  	s22 =	sadd.s32 $0xFFFFFFFF, s31;
	[sflag:s3] =	ssyncset.done $0x0  }
.LBB2_1:
0x42: {  	p0 =	sne.s32 s22, $0x1;
	s22 =	sadd.s32 $0xFFFFFFFF, s22;
	[sflag:s3] =	ssyncadd.s32 $0xFFFFF300  }
0x43: {  	[tilespmem:s2], [sflag:$0x3] =	stream.linear.gather [hbm4b:s4+s2], $0x1000, $0x38;
	[tilespmem:$0x12A00] =	vst v63  }
0x44: {  	_ =	swait.ge [sflag:s3], $0x1000  }
0x45: {  	[sflag:s3] =	ssyncset.done $0x0  }
0x46: {  	[sflag:s3] =	ssyncadd.s32 $0xFFFFF000  }
0x47: {  	[tilespmem:s6], [sflag:$0x1] =	stream.indirect.gather [hbm4b:s5+s6], $0x10, s2, s6, $0xb8;
	[tilespmem:$0x12A00] =	vst v63  }
0x48: {  	_ =	swait.ge [sflag:s7], $0x10000  }
0x49: {  	[sflag:s7] =	ssyncset.done $0x0  }
0x4a: {  	[sflag:s7] =	ssyncadd.s32 $0xFFFF0000  }
0x4b: {  	[hbm4b:s8+s2] =	stream.linear.scatter [tilespmem:s6], [sflag:$0x3], $0x10000, $0x38;
	[tilespmem:$0x12A00] =	vst v63  }
0x4c: {  	_ =	swait.ge [sflag:s3], $0x10000  }
0x4d: {  	[sflag:s3] =	ssyncset.done $0x0  }
0x4e: {  	[sflag:s3] =	ssyncadd.s32 $0xFFFF0000  }
0x4f: {  	[tilespmem:s10], [sflag:$0x3] =	stream.linear.gather [hbm4b:s9+s2], $0xD00, $0x38;
	[tilespmem:$0x12A00] =	vst v63  }
0x50: {  	_ =	swait.ge [sflag:s3], $0xD00  }
0x51: {  	[sflag:s3] =	ssyncset.done $0x0  }
0x52: {  	[sflag:s3] =	ssyncadd.s32 $0xFFFFF300  }
0x53: {  	[tilespmem:s13], [sflag:$0x2] =	stream.indirect.gather [hbm4b:s11+s12], $0x1, s10, s12, $0xb8;
	[tilespmem:$0x12A00] =	vst v63  }
0x54: {  	_ =	swait.ge [sflag:s14], $0xD00  }
0x55: {  	[sflag:s14] =	ssyncset.done $0x0  }
0x56: {  	[sflag:s14] =	ssyncadd.s32 $0xFFFFF300  }
0x57: {  	[hbm4b:s15+s2] =	stream.linear.scatter [tilespmem:s13], [sflag:$0x3], $0xD00, $0x38;
	[tilespmem:$0x12A00] =	vst v63  }
0x58: {  	_ =	swait.ge [sflag:s3], $0xD00  }
0x59: {  	[sflag:s3] =	ssyncset.done $0x0  }
0x5a: {  	[sflag:s3] =	ssyncadd.s32 $0xFFFFF300  }
0x5b: {  	[tilespmem:s10], [sflag:$0x3] =	stream.linear.gather [hbm4b:s16+s2], $0xD00, $0x38;
	[tilespmem:$0x12A00] =	vst v63  }
0x5c: {  	_ =	swait.ge [sflag:s3], $0xD00  }
0x5d: {  	[sflag:s3] =	ssyncset.done $0x0  }
0x5e: {  	[sflag:s3] =	ssyncadd.s32 $0xFFFFF300  }
0x5f: {  	[tilespmem:s13], [sflag:$0x2] =	stream.indirect.gather [hbm4b:s11+s12], $0x1, s10, s12, $0xb8;
	[tilespmem:$0x12A00] =	vst v63  }
0x60: {  	_ =	swait.ge [sflag:s14], $0xD00  }
0x61: {  	[sflag:s14] =	ssyncset.done $0x0  }
0x62: {  	[sflag:s14] =	ssyncadd.s32 $0xFFFFF300  }
0x63: {  	[hbm4b:s17+s2] =	stream.linear.scatter [tilespmem:s13], [sflag:$0x3], $0xD00, $0x38;
	[tilespmem:$0x12A00] =	vst v63  }
0x64: {  	_ =	swait.ge [sflag:s3], $0xD00  }
0x65: {  	[sflag:s3] =	ssyncset.done $0x0  }
0x66: {  	[sflag:s3] =	ssyncadd.s32 $0xFFFFF300  }
0x67: {  	[tilespmem:s10], [sflag:$0x3] =	stream.linear.gather [hbm4b:s18+s2], $0xD00, $0x38;
	[tilespmem:$0x12A00] =	vst v63  }
0x68: {  	_ =	swait.ge [sflag:s3], $0xD00  }
0x69: {  	[sflag:s3] =	ssyncset.done $0x0  }
0x6a: {  	[sflag:s3] =	ssyncadd.s32 $0xFFFFF300  }
0x6b: {  	[tilespmem:s13], [sflag:$0x2] =	stream.indirect.gather [hbm4b:s11+s12], $0x1, s10, s12, $0xb8;
	[tilespmem:$0x12A00] =	vst v63  }
0x6c: {  	_ =	swait.ge [sflag:s14], $0xD00  }
0x6d: {  	[sflag:s14] =	ssyncset.done $0x0  }
0x6e: {  	[sflag:s14] =	ssyncadd.s32 $0xFFFFF300  }
0x6f: {  	[hbm4b:s19+s2] =	stream.linear.scatter [tilespmem:s13], [sflag:$0x3], $0xD00, $0x38;
	[tilespmem:$0x12A00] =	vst v63  }
0x70: {  	_ =	swait.ge [sflag:s3], $0xD00  }
0x71: {  	[sflag:s3] =	ssyncset.done $0x0  }
0x72: {  	[sflag:s3] =	ssyncadd.s32 $0xFFFFF300  }
0x73: {  	[tilespmem:s10], [sflag:$0x3] =	stream.linear.gather [hbm4b:s20+s2], $0xD00, $0x38;
	[tilespmem:$0x12A00] =	vst v63  }
0x74: {  	_ =	swait.ge [sflag:s3], $0xD00  }
0x75: {  	[sflag:s3] =	ssyncset.done $0x0  }
0x76: {  	[sflag:s3] =	ssyncadd.s32 $0xFFFFF300  }
0x77: {  	[tilespmem:s13], [sflag:$0x2] =	stream.indirect.gather [hbm4b:s11+s12], $0x1, s10, s12, $0xb8;
	[tilespmem:$0x12A00] =	vst v63  }
0x78: {  	_ =	swait.ge [sflag:s14], $0xD00  }
.Ltmp1:
0x79: {  	[sflag:s14] =	ssyncset.done $0x0;
	(pc) =	sbr.rel @p0 .LBB2_1-.Ltmp1, $4  }
0x7a: {  	[sflag:s14] =	ssyncadd.s32 $0xFFFFF300  }
0x7b: {  	[hbm4b:s21+s2] =	stream.linear.scatter [tilespmem:s13], [sflag:$0x3], $0xD00, $0x38;
	[tilespmem:$0x12A00] =	vst v63  }
0x7c: {  	_ =	swait.ge [sflag:s3], $0xD00  }
0x7d: {  	[sflag:s3] =	ssyncset.done $0x0  }
.LBB2_2:
0x7e: {  	[sflag:s3] =	ssyncadd.s32 $0xFFFFF300  }
0x7f: {  	_ =	sfence.sel $0x180000  }
0x80: {  	[bflag:$0x0] =	sbarrier.arrive $0xFFFF  }
0x81: {  	p0 =	sne.s32 s0, $0x0;
	_ =	strace $0x90000047  }
0x82: {  	s0 =	sadd.s32 @!p0 $0x100000, s1;
	[bflag:$0x2] =	sbarrier.arrive $0xFFFF  }
0x83: {  	[sflag:s0] =	ssyncadd.tile.s32 @!p0 $0x1;
	_ =	shalt  }
.Lfunc_end2:
_tile_overlayer_lowered:
.L_overlay_start_2:
0x84: {  	(tag) =	ssettag $0x2  }
0x85: {  	s0 =	rddreg [dreg:$0x0];
	s2 =	stileid.u32  }
0x86: {  	s1 =	rddreg [dreg:$0x1];
	p0 =	sne.s32 s2, $0x0  }
0x87: {  	s3 =	rddreg [dreg:$0x2];
	[bflag:$0x3] =	sbarrier.arrive $0xFFFF;
	s2 =	simm.s32 @!p0 $0x1C03  }
0x88: {  	[timem:s3], [sflag:s2] =	dma.local @!p0 [hbm:s0], s1  }
0x89: {  	s0 =	simm.s32 @!p0 $0x3  }
0x8a: {  	_ =	swait.ge @!p0 [sflag:s0], s1  }
0x8b: {  	s1 =	ssub.s32 @!p0 $0x0, s1;
	[sflag:s0] =	ssyncset.done @!p0 $0x0  }
0x8c: {  	[sflag:s0] =	ssyncadd.s32 @!p0 s1  }
0x8d: {  	[bflag:$0x3] =	sbarrier.arrive $0xFFFF  }
0x8e: {  	_ =	shalt  }

</sc_bundles>
